<compile_context>
chip_gen: v7x
topology: tpu7x:2x2x1
jax: 0.10.2.dev20260603
libtpu: 0.0.44.dev20260713+nightly
codegen_flags: <defaults>
</compile_context>

<pallas_src>
import functools

import numpy as np

import jax
import jax.numpy as jnp
from jax import lax
from jax.experimental import pallas as pl
from jax.experimental.pallas import tpu as pltpu
from jax.experimental.pallas import tpu_sc as plsc

_G = 33
_S = 2
_NN = _G * _G
_NROW = 1152
_NPAD = 1152
_NL = 8
_C = 128


_OFFS = (_S, _S * _G, _S * _G + _S, _S * _G - _S)
_PADL = 80


def _edge_tables():
    valid = np.zeros((4, _NPAD), np.float32)
    deg = np.zeros(_NPAD, np.float32)
    for i in range(_G):
        for j in range(_G):
            cur = i * _G + j
            dsts = []
            if j < _G - _S:
                dsts.append(cur + _S)
            if i < _G - _S:
                dsts.append(cur + _S * _G)
            if j < _G - _S and i < _G - _S:
                dsts.append(cur + _S * _G + _S)
            if j > _S and i < _G - _S:
                dsts.append(cur + _S * _G - _S)
            for d in dsts:
                valid[_OFFS.index(d - cur), d] = 1.0
                deg[d] += 1.0
    w = valid / np.maximum(deg, 1.0)[None, :]
    return w.astype(np.float32)


_WSTEN = _edge_tables()


def _sc_mean(x0p):
    info = plsc.get_sparse_core_info()
    nc, ns = info.num_cores, info.num_subcores
    cpw = _C // (nc * ns)
    mesh = plsc.VectorSubcoreMesh(core_axis_name="c", subcore_axis_name="s")

    @functools.partial(
        pl.kernel,
        mesh=mesh,
        out_type=jax.ShapeDtypeStruct((_C * _NROW,), jnp.float32),
        scratch_types=[
            pltpu.VMEM((_PADL + _NPAD,), jnp.float32),
            pltpu.VMEM((_NPAD,), jnp.float32),
            pltpu.VMEM((4 * _NPAD,), jnp.float32),
        ],
    )
    def k(x_hbm, w_hbm, out_hbm, row_in, row_out, w_vm):
        wid = lax.axis_index("s") * nc + lax.axis_index("c")
        pltpu.sync_copy(w_hbm, w_vm)
        zeros = jnp.zeros((16,), jnp.float32)
        for z in range(_PADL // 16):
            row_in[pl.ds(z * 16, 16)] = zeros
        for cc in range(cpw):
            ch = wid * cpw + cc
            pltpu.sync_copy(x_hbm.at[pl.ds(ch * _NROW, _NROW)],
                            row_in.at[pl.ds(_PADL, _NROW)])

            def step(j, carry):
                s = j * 16
                acc = row_in[pl.ds(_PADL + s - _OFFS[0], 16)] * w_vm[pl.ds(s, 16)]
                acc += row_in[pl.ds(_PADL + s - _OFFS[1], 16)] * w_vm[pl.ds(_NPAD + s, 16)]
                acc += row_in[pl.ds(_PADL + s - _OFFS[2], 16)] * w_vm[pl.ds(2 * _NPAD + s, 16)]
                acc += row_in[pl.ds(_PADL + s - _OFFS[3], 16)] * w_vm[pl.ds(3 * _NPAD + s, 16)]
                row_out[pl.ds(s, 16)] = acc
                return carry

            lax.fori_loop(0, _NPAD // 16, step, 0)
            pltpu.sync_copy(row_out, out_hbm.at[pl.ds(ch * _NROW, _NROW)])

    return k(x0p.reshape(_C * _NROW), jnp.asarray(_WSTEN.reshape(4 * _NPAD)))


def _tc_body(xcp_ref, wrt_ref, bl_ref, mean_ref, wlc_ref, out_ref, m_scr):
    b = pl.program_id(0)

    @pl.when(b == 0)
    def _():
        m = mean_ref[...][:, :_NN]
        mm = lax.dot_general(
            m, wlc_ref[...], (((0,), (0,)), ((), ())),
            preferred_element_type=jnp.float32,
        )
        for l2 in range(_NL):
            m_scr[l2] = mm[:, l2 * _C:(l2 + 1) * _C]

    xn = xcp_ref[0]
    for l in range(_NL):
        y = lax.dot_general(
            xn, wrt_ref[l], (((1,), (0,)), ((), ())),
            preferred_element_type=jnp.float32,
        )
        y = y + bl_ref[l][None, :]
        y = y + jnp.where(b == 0, m_scr[l], jnp.zeros_like(y))
        out_ref[0, l] = jnp.where(y > 0.0, y, jnp.exp(y) - 1.0)


def _tc_forward(xcp, wr_t, b_l, mean_p, wl_cat):
    bsz = xcp.shape[0]
    return pl.pallas_call(
        _tc_body,
        grid=(bsz,),
        in_specs=[
            pl.BlockSpec((1, _NN, _C), lambda b: (b, 0, 0)),
            pl.BlockSpec((_NL, _C, _C), lambda b: (0, 0, 0)),
            pl.BlockSpec((_NL, _C), lambda b: (0, 0)),
            pl.BlockSpec((_C, _NROW), lambda b: (0, 0)),
            pl.BlockSpec((_C, _NL * _C), lambda b: (0, 0)),
        ],
        out_specs=pl.BlockSpec((1, _NL, _NN, _C), lambda b: (b, 0, 0, 0)),
        out_shape=jax.ShapeDtypeStruct((bsz, _NL, _NN, _C), jnp.float32),
        scratch_shapes=[pltpu.VMEM((_NL, _NN, _C), jnp.float32)],
        compiler_params=pltpu.CompilerParams(
            dimension_semantics=("arbitrary",),
        ),
    )(xcp, wr_t, b_l, mean_p, wl_cat)


def kernel(x, W_l, b_l, W_r):
    bsz, C, H, W = x.shape
    xc = x.reshape(bsz, C, _NN)
    xn = jnp.swapaxes(xc, 1, 2)
    x0p = jnp.pad(xc[0], ((0, 0), (0, _NROW - _NN)))
    mean_p = _sc_mean(x0p).reshape(C, _NROW)
    wr_t = jnp.transpose(W_r, (0, 2, 1))
    wl_cat = jnp.transpose(W_l, (2, 0, 1)).reshape(C, _NL * C)
    out = _tc_forward(xn, wr_t, b_l, mean_p, wl_cat)
    z = out.reshape(bsz, _NL * C, _NN)
    xr = x.reshape(bsz, C, _NN)
    return jnp.concatenate([z, xr], axis=1).reshape(bsz, (_NL + 1) * C, H, W)

# --- scband reference (transcript-rebuilt; emitter-appended) ---
"""Pipeline reference for scband-stride-graph-sage-11527692222849 (READ-ONLY COPY).

The authoritative reference and input builder live on the scoring server;
editing this copy changes nothing except your own understanding.
"""

import jax, jax.numpy as jnp
import numpy as np

GRID = 33
STRIDE = 2
NL = 8
HID = 128
B = 64


def _stride_edge(grid_size, stride):
    edges = []
    for i in range(grid_size):
        for j in range(grid_size):
            cur = i * grid_size + j
            if j < grid_size - stride:
                edges.append([cur, cur + stride])
            if i < grid_size - stride:
                edges.append([cur, cur + stride * grid_size])
            if j < grid_size - stride and i < grid_size - stride:
                edges.append([cur, cur + stride * grid_size + stride])
            if j > stride and i < grid_size - stride:
                edges.append([cur, cur + stride * grid_size - stride])
    return np.array(edges, dtype=np.int64).T  # [2, E]


def setup_inputs(seed: int = 0) -> dict:
    key = jax.random.key(seed)
    ks = jax.random.split(key, 4)
    x = jax.random.normal(ks[0], (B, HID, GRID, GRID), dtype=jnp.float32)
    # SAGEConv params per layer: lin_l (neighbor agg, with bias) and lin_r (root)
    W_l = jax.random.normal(ks[1], (NL, HID, HID), dtype=jnp.float32) * 0.05
    b_l = jnp.zeros((NL, HID), dtype=jnp.float32)
    W_r = jax.random.normal(ks[2], (NL, HID, HID), dtype=jnp.float32) * 0.05
    return {"x": x, "W_l": W_l, "b_l": b_l, "W_r": W_r}


def reference(x, W_l, b_l, W_r):
    Bc, C, H, W = x.shape
    num_nodes = H * W
    N = Bc * num_nodes
    ei = _stride_edge(GRID, STRIDE)
    src = jnp.asarray(ei[0])
    dst = jnp.asarray(ei[1])
    # feature2graph: per-sample [C,H*W] -> [H*W, C], then batched concat
    xn = jnp.transpose(x.reshape(Bc, C, num_nodes), (0, 2, 1)).reshape(N, C)
    # mean aggregation over incoming edges (edges only cover first sample's
    # node indices, exactly as the original buggy-but-faithful module does;
    # isolated nodes get a zero mean, matching PyG's mean aggregation)
    cnt = jax.ops.segment_sum(jnp.ones(src.shape[0], jnp.float32), dst, num_segments=N)
    denom = jnp.maximum(cnt, 1.0)[:, None]
    feats = []
    for l in range(NL):
        # every layer consumes the ORIGINAL node features x.x (module never
        # reassigns x), faithful to the source
        msgs = jax.ops.segment_sum(jnp.take(xn, src, axis=0), dst, num_segments=N)
        mean = msgs / denom
        out = mean @ W_l[l].T + b_l[l] + xn @ W_r[l].T  # SAGEConv
        out = jax.nn.elu(out)
        # graph2feature: flat view per-sample [num_nodes*C] -> (C, 33, 33)
        feats.append(out.reshape(Bc, C, H, W))
    feats.append(x)
    return jnp.concatenate(feats, axis=1)

if __name__ == "__main__":
    import jax
    _d = setup_inputs()
    print(jax.jit(kernel)(*tuple(_d.values())))

</pallas_src>

<mosaic_0001>
#map = affine_map<(d0, d1) -> (0)>
module attributes {stable_mosaic.version = 14 : i64} {
  func.func @k(%arg0: i32, %arg1: i32, %arg2: memref<147456xf32, #tpu.memory_space<hbm>>, %arg3: memref<4608xf32, #tpu.memory_space<hbm>>, %arg4: memref<147456xf32, #tpu.memory_space<hbm>>, %arg5: memref<1232xf32, #tpu.memory_space<vmem>>, %arg6: memref<1152xf32, #tpu.memory_space<vmem>>, %arg7: memref<4608xf32, #tpu.memory_space<vmem>>) attributes {dimension_semantics = [#tpu.dimension_semantics<core_parallel>, #tpu.dimension_semantics<subcore_parallel>], iteration_bounds = array<i64: 2, 16>, scalar_prefetch = 0 : i64, scratch_operands = 3 : i64, tpu.core_type = #tpu.core_type<sc_vector_subcore>, window_params = [{transform_indices = #map}, {transform_indices = #map}, {transform_indices = #map}]} {
    %mul3A = arith.constant 2 : i32
    %mul3A_0 = arith.muli %arg1, %mul3A : i32
    %add3A = arith.addi %mul3A_0, %arg0 : i32
    "tpu.region"() ({
      %run_scoped3A = tpu.sem_alloc : memref<!tpu.dma_semaphore, #tpu.memory_space<semaphore_mem>>
      tpu.enqueue_dma source(%arg3 : memref<4608xf32, #tpu.memory_space<hbm>>) target(%arg7 : memref<4608xf32, #tpu.memory_space<vmem>>) target_semaphore(%run_scoped3A : memref<!tpu.dma_semaphore, #tpu.memory_space<semaphore_mem>>)
      tpu.wait_dma2 semaphore(%run_scoped3A : memref<!tpu.dma_semaphore, #tpu.memory_space<semaphore_mem>>) src(%arg3 : memref<4608xf32, #tpu.memory_space<hbm>>) dst(%arg7 : memref<4608xf32, #tpu.memory_space<vmem>>)
      tpu.yield
    }) : () -> ()
    %broadcast_in_dim3A = arith.constant 0.000000e+00 : f32
    %broadcast_in_dim3A_1 = vector.broadcast %broadcast_in_dim3A : f32 to vector<16xf32>
    %swap3A = arith.constant 0 : index
    %swap3A_2 = tpu.vector_load %arg5[%swap3A] {strides = array<i32>} : memref<1232xf32, #tpu.memory_space<vmem>>, vector<16xf32>,
    %swap3A_3 = vector.shape_cast %swap3A_2 : vector<16xf32> to vector<16xf32>
    %swap3A_4 = vector.shape_cast %broadcast_in_dim3A_1 : vector<16xf32> to vector<16xf32>
    tpu.vector_store %arg5[%swap3A], %swap3A_4 {strides = array<i32>} : memref<1232xf32, #tpu.memory_space<vmem>>, vector<16xf32>,
    %swap3A_5 = arith.constant 16 : index
    %swap3A_6 = tpu.vector_load %arg5[%swap3A_5] {strides = array<i32>} : memref<1232xf32, #tpu.memory_space<vmem>>, vector<16xf32>,
    %swap3A_7 = vector.shape_cast %swap3A_6 : vector<16xf32> to vector<16xf32>
    %swap3A_8 = vector.shape_cast %broadcast_in_dim3A_1 : vector<16xf32> to vector<16xf32>
    tpu.vector_store %arg5[%swap3A_5], %swap3A_8 {strides = array<i32>} : memref<1232xf32, #tpu.memory_space<vmem>>, vector<16xf32>,
    %swap3A_9 = arith.constant 32 : index
    %swap3A_10 = tpu.vector_load %arg5[%swap3A_9] {strides = array<i32>} : memref<1232xf32, #tpu.memory_space<vmem>>, vector<16xf32>,
    %swap3A_11 = vector.shape_cast %swap3A_10 : vector<16xf32> to vector<16xf32>
    %swap3A_12 = vector.shape_cast %broadcast_in_dim3A_1 : vector<16xf32> to vector<16xf32>
    tpu.vector_store %arg5[%swap3A_9], %swap3A_12 {strides = array<i32>} : memref<1232xf32, #tpu.memory_space<vmem>>, vector<16xf32>,
    %swap3A_13 = arith.constant 48 : index
    %swap3A_14 = tpu.vector_load %arg5[%swap3A_13] {strides = array<i32>} : memref<1232xf32, #tpu.memory_space<vmem>>, vector<16xf32>,
    %swap3A_15 = vector.shape_cast %swap3A_14 : vector<16xf32> to vector<16xf32>
    %swap3A_16 = vector.shape_cast %broadcast_in_dim3A_1 : vector<16xf32> to vector<16xf32>
    tpu.vector_store %arg5[%swap3A_13], %swap3A_16 {strides = array<i32>} : memref<1232xf32, #tpu.memory_space<vmem>>, vector<16xf32>,
    %swap3A_17 = arith.constant 64 : index
    %swap3A_18 = tpu.vector_load %arg5[%swap3A_17] {strides = array<i32>} : memref<1232xf32, #tpu.memory_space<vmem>>, vector<16xf32>,
    %swap3A_19 = vector.shape_cast %swap3A_18 : vector<16xf32> to vector<16xf32>
    %swap3A_20 = vector.shape_cast %broadcast_in_dim3A_1 : vector<16xf32> to vector<16xf32>
    tpu.vector_store %arg5[%swap3A_17], %swap3A_20 {strides = array<i32>} : memref<1232xf32, #tpu.memory_space<vmem>>, vector<16xf32>,
    %mul3A_21 = arith.constant 4 : i32
    %mul3A_22 = arith.muli %add3A, %mul3A_21 : i32
    %add3A_23 = arith.constant 0 : i32
    %add3A_24 = arith.addi %mul3A_22, %add3A_23 : i32
    %mul3A_25 = arith.constant 1152 : i32
    %mul3A_26 = arith.muli %add3A_24, %mul3A_25 : i32
    "tpu.region"() ({
      %run_scoped3A = tpu.sem_alloc : memref<!tpu.dma_semaphore, #tpu.memory_space<semaphore_mem>>
      %dma_start3A = arith.constant 80 : i32
      %dma_start3A_76 = tpu.memref_slice %arg5[%dma_start3A] : memref<1232xf32, #tpu.memory_space<vmem>> -> memref<1152xf32, #tpu.memory_space<vmem>>
      %dma_start3A_77 = tpu.memref_slice %arg2[%mul3A_26] : memref<147456xf32, #tpu.memory_space<hbm>> -> memref<1152xf32, #tpu.memory_space<hbm>>
      %dma_start3A_78 = arith.constant 80 : i32
      %dma_start3A_79 = tpu.memref_slice %arg5[%dma_start3A_78] : memref<1232xf32, #tpu.memory_space<vmem>> -> memref<1152xf32, #tpu.memory_space<vmem>>
      %dma_start3A_80 = tpu.memref_slice %arg2[%mul3A_26] : memref<147456xf32, #tpu.memory_space<hbm>> -> memref<1152xf32, #tpu.memory_space<hbm>>
      tpu.enqueue_dma source(%dma_start3A_80 : memref<1152xf32, #tpu.memory_space<hbm>>) target(%dma_start3A_79 : memref<1152xf32, #tpu.memory_space<vmem>>) target_semaphore(%run_scoped3A : memref<!tpu.dma_semaphore, #tpu.memory_space<semaphore_mem>>)
      %dma_wait3A = arith.constant 80 : i32
      %dma_wait3A_81 = tpu.memref_slice %arg5[%dma_wait3A] : memref<1232xf32, #tpu.memory_space<vmem>> -> memref<1152xf32, #tpu.memory_space<vmem>>
      %dma_wait3A_82 = tpu.memref_slice %arg2[%mul3A_26] : memref<147456xf32, #tpu.memory_space<hbm>> -> memref<1152xf32, #tpu.memory_space<hbm>>
      %dma_wait3A_83 = arith.constant 80 : i32
      %dma_wait3A_84 = tpu.memref_slice %arg5[%dma_wait3A_83] : memref<1232xf32, #tpu.memory_space<vmem>> -> memref<1152xf32, #tpu.memory_space<vmem>>
      %dma_wait3A_85 = tpu.memref_slice %arg2[%mul3A_26] : memref<147456xf32, #tpu.memory_space<hbm>> -> memref<1152xf32, #tpu.memory_space<hbm>>
      tpu.wait_dma2 semaphore(%run_scoped3A : memref<!tpu.dma_semaphore, #tpu.memory_space<semaphore_mem>>) src(%dma_wait3A_85 : memref<1152xf32, #tpu.memory_space<hbm>>) dst(%dma_wait3A_84 : memref<1152xf32, #tpu.memory_space<vmem>>)
      tpu.yield
    }) : () -> ()
    %scan3A = arith.constant 0 : i32
    %scan3A_27 = arith.constant 0 : i32
    %scan3A_28 = arith.constant 72 : i32
    %scan3A_29 = arith.addi %scan3A_27, %scan3A_28 : i32
    %scan3A_30 = arith.constant 1 : i32
    scf.for %scan3A_76 = %scan3A_27 to %scan3A_29 step %scan3A_30  : i32 {
      %mul3A_77 = arith.constant 16 : i32
      %mul3A_78 = arith.muli %scan3A_76, %mul3A_77 : i32
      %add3A_79 = arith.constant 80 : i32
      %add3A_80 = arith.addi %add3A_79, %mul3A_78 : i32
      %sub3A = arith.constant 2 : i32
      %sub3A_81 = arith.subi %add3A_80, %sub3A : i32
      %get3A = arith.index_cast %sub3A_81 : i32 to index
      %get3A_82 = tpu.vector_load %arg5[%get3A] {strides = array<i32>} : memref<1232xf32, #tpu.memory_space<vmem>>, vector<16xf32>,
      %get3A_83 = vector.shape_cast %get3A_82 : vector<16xf32> to vector<16xf32>
      %get3A_84 = arith.index_cast %mul3A_78 : i32 to index
      %get3A_85 = tpu.vector_load %arg7[%get3A_84] {strides = array<i32>} : memref<4608xf32, #tpu.memory_space<vmem>>, vector<16xf32>,
      %get3A_86 = vector.shape_cast %get3A_85 : vector<16xf32> to vector<16xf32>
      %mul3A_87 = arith.mulf %get3A_83, %get3A_86 : vector<16xf32>
      %add3A_88 = arith.constant 80 : i32
      %add3A_89 = arith.addi %add3A_88, %mul3A_78 : i32
      %sub3A_90 = arith.constant 66 : i32
      %sub3A_91 = arith.subi %add3A_89, %sub3A_90 : i32
      %get3A_92 = arith.index_cast %sub3A_91 : i32 to index
      %get3A_93 = tpu.vector_load %arg5[%get3A_92] {strides = array<i32>} : memref<1232xf32, #tpu.memory_space<vmem>>, vector<16xf32>,
      %get3A_94 = vector.shape_cast %get3A_93 : vector<16xf32> to vector<16xf32>
      %add3A_95 = arith.constant 1152 : i32
      %add3A_96 = arith.addi %add3A_95, %mul3A_78 : i32
      %get3A_97 = arith.index_cast %add3A_96 : i32 to index
      %get3A_98 = tpu.vector_load %arg7[%get3A_97] {strides = array<i32>} : memref<4608xf32, #tpu.memory_space<vmem>>, vector<16xf32>,
      %get3A_99 = vector.shape_cast %get3A_98 : vector<16xf32> to vector<16xf32>
      %mul3A_100 = arith.mulf %get3A_94, %get3A_99 : vector<16xf32>
      %add3A_101 = arith.addf %mul3A_87, %mul3A_100 : vector<16xf32>
      %add3A_102 = arith.constant 80 : i32
      %add3A_103 = arith.addi %add3A_102, %mul3A_78 : i32
      %sub3A_104 = arith.constant 68 : i32
      %sub3A_105 = arith.subi %add3A_103, %sub3A_104 : i32
      %get3A_106 = arith.index_cast %sub3A_105 : i32 to index
      %get3A_107 = tpu.vector_load %arg5[%get3A_106] {strides = array<i32>} : memref<1232xf32, #tpu.memory_space<vmem>>, vector<16xf32>,
      %get3A_108 = vector.shape_cast %get3A_107 : vector<16xf32> to vector<16xf32>
      %add3A_109 = arith.constant 2304 : i32
      %add3A_110 = arith.addi %add3A_109, %mul3A_78 : i32
      %get3A_111 = arith.index_cast %add3A_110 : i32 to index
      %get3A_112 = tpu.vector_load %arg7[%get3A_111] {strides = array<i32>} : memref<4608xf32, #tpu.memory_space<vmem>>, vector<16xf32>,
      %get3A_113 = vector.shape_cast %get3A_112 : vector<16xf32> to vector<16xf32>
      %mul3A_114 = arith.mulf %get3A_108, %get3A_113 : vector<16xf32>
      %add3A_115 = arith.addf %add3A_101, %mul3A_114 : vector<16xf32>
      %add3A_116 = arith.constant 80 : i32
      %add3A_117 = arith.addi %add3A_116, %mul3A_78 : i32
      %sub3A_118 = arith.constant 64 : i32
      %sub3A_119 = arith.subi %add3A_117, %sub3A_118 : i32
      %get3A_120 = arith.index_cast %sub3A_119 : i32 to index
      %get3A_121 = tpu.vector_load %arg5[%get3A_120] {strides = array<i32>} : memref<1232xf32, #tpu.memory_space<vmem>>, vector<16xf32>,
      %get3A_122 = vector.shape_cast %get3A_121 : vector<16xf32> to vector<16xf32>
      %add3A_123 = arith.constant 3456 : i32
      %add3A_124 = arith.addi %add3A_123, %mul3A_78 : i32
      %get3A_125 = arith.index_cast %add3A_124 : i32 to index
      %get3A_126 = tpu.vector_load %arg7[%get3A_125] {strides = array<i32>} : memref<4608xf32, #tpu.memory_space<vmem>>, vector<16xf32>,
      %get3A_127 = vector.shape_cast %get3A_126 : vector<16xf32> to vector<16xf32>
      %mul3A_128 = arith.mulf %get3A_122, %get3A_127 : vector<16xf32>
      %add3A_129 = arith.addf %add3A_115, %mul3A_128 : vector<16xf32>
      %swap3A_130 = arith.index_cast %mul3A_78 : i32 to index
      %swap3A_131 = tpu.vector_load %arg6[%swap3A_130] {strides = array<i32>} : memref<1152xf32, #tpu.memory_space<vmem>>, vector<16xf32>,
      %swap3A_132 = vector.shape_cast %swap3A_131 : vector<16xf32> to vector<16xf32>
      %swap3A_133 = vector.shape_cast %add3A_129 : vector<16xf32> to vector<16xf32>
      tpu.vector_store %arg6[%swap3A_130], %swap3A_133 {strides = array<i32>} : memref<1152xf32, #tpu.memory_space<vmem>>, vector<16xf32>,
    }
    %scan3A_31 = arith.constant 72 : i32
    %mul3A_32 = arith.constant 1152 : i32
    %mul3A_33 = arith.muli %add3A_24, %mul3A_32 : i32
    "tpu.region"() ({
      %run_scoped3A = tpu.sem_alloc : memref<!tpu.dma_semaphore, #tpu.memory_space<semaphore_mem>>
      %dma_start3A = tpu.memref_slice %arg4[%mul3A_33] : memref<147456xf32, #tpu.memory_space<hbm>> -> memref<1152xf32, #tpu.memory_space<hbm>>
      %dma_start3A_76 = tpu.memref_slice %arg4[%mul3A_33] : memref<147456xf32, #tpu.memory_space<hbm>> -> memref<1152xf32, #tpu.memory_space<hbm>>
      tpu.enqueue_dma source(%arg6 : memref<1152xf32, #tpu.memory_space<vmem>>) target(%dma_start3A_76 : memref<1152xf32, #tpu.memory_space<hbm>>) target_semaphore(%run_scoped3A : memref<!tpu.dma_semaphore, #tpu.memory_space<semaphore_mem>>)
      %dma_wait3A = tpu.memref_slice %arg4[%mul3A_33] : memref<147456xf32, #tpu.memory_space<hbm>> -> memref<1152xf32, #tpu.memory_space<hbm>>
      %dma_wait3A_77 = tpu.memref_slice %arg4[%mul3A_33] : memref<147456xf32, #tpu.memory_space<hbm>> -> memref<1152xf32, #tpu.memory_space<hbm>>
      tpu.wait_dma2 semaphore(%run_scoped3A : memref<!tpu.dma_semaphore, #tpu.memory_space<semaphore_mem>>) src(%arg6 : memref<1152xf32, #tpu.memory_space<vmem>>) dst(%dma_wait3A_77 : memref<1152xf32, #tpu.memory_space<hbm>>)
      tpu.yield
    }) : () -> ()
    %mul3A_34 = arith.constant 4 : i32
    %mul3A_35 = arith.muli %add3A, %mul3A_34 : i32
    %add3A_36 = arith.constant 1 : i32
    %add3A_37 = arith.addi %mul3A_35, %add3A_36 : i32
    %mul3A_38 = arith.constant 1152 : i32
    %mul3A_39 = arith.muli %add3A_37, %mul3A_38 : i32
    "tpu.region"() ({
      %run_scoped3A = tpu.sem_alloc : memref<!tpu.dma_semaphore, #tpu.memory_space<semaphore_mem>>
      %dma_start3A = arith.constant 80 : i32
      %dma_start3A_76 = tpu.memref_slice %arg5[%dma_start3A] : memref<1232xf32, #tpu.memory_space<vmem>> -> memref<1152xf32, #tpu.memory_space<vmem>>
      %dma_start3A_77 = tpu.memref_slice %arg2[%mul3A_39] : memref<147456xf32, #tpu.memory_space<hbm>> -> memref<1152xf32, #tpu.memory_space<hbm>>
      %dma_start3A_78 = arith.constant 80 : i32
      %dma_start3A_79 = tpu.memref_slice %arg5[%dma_start3A_78] : memref<1232xf32, #tpu.memory_space<vmem>> -> memref<1152xf32, #tpu.memory_space<vmem>>
      %dma_start3A_80 = tpu.memref_slice %arg2[%mul3A_39] : memref<147456xf32, #tpu.memory_space<hbm>> -> memref<1152xf32, #tpu.memory_space<hbm>>
      tpu.enqueue_dma source(%dma_start3A_80 : memref<1152xf32, #tpu.memory_space<hbm>>) target(%dma_start3A_79 : memref<1152xf32, #tpu.memory_space<vmem>>) target_semaphore(%run_scoped3A : memref<!tpu.dma_semaphore, #tpu.memory_space<semaphore_mem>>)
      %dma_wait3A = arith.constant 80 : i32
      %dma_wait3A_81 = tpu.memref_slice %arg5[%dma_wait3A] : memref<1232xf32, #tpu.memory_space<vmem>> -> memref<1152xf32, #tpu.memory_space<vmem>>
      %dma_wait3A_82 = tpu.memref_slice %arg2[%mul3A_39] : memref<147456xf32, #tpu.memory_space<hbm>> -> memref<1152xf32, #tpu.memory_space<hbm>>
      %dma_wait3A_83 = arith.constant 80 : i32
      %dma_wait3A_84 = tpu.memref_slice %arg5[%dma_wait3A_83] : memref<1232xf32, #tpu.memory_space<vmem>> -> memref<1152xf32, #tpu.memory_space<vmem>>
      %dma_wait3A_85 = tpu.memref_slice %arg2[%mul3A_39] : memref<147456xf32, #tpu.memory_space<hbm>> -> memref<1152xf32, #tpu.memory_space<hbm>>
      tpu.wait_dma2 semaphore(%run_scoped3A : memref<!tpu.dma_semaphore, #tpu.memory_space<semaphore_mem>>) src(%dma_wait3A_85 : memref<1152xf32, #tpu.memory_space<hbm>>) dst(%dma_wait3A_84 : memref<1152xf32, #tpu.memory_space<vmem>>)
      tpu.yield
    }) : () -> ()
    %scan3A_40 = arith.constant 0 : i32
    %scan3A_41 = arith.constant 0 : i32
    %scan3A_42 = arith.constant 72 : i32
    %scan3A_43 = arith.addi %scan3A_41, %scan3A_42 : i32
    %scan3A_44 = arith.constant 1 : i32
    scf.for %scan3A_76 = %scan3A_41 to %scan3A_43 step %scan3A_44  : i32 {
      %mul3A_77 = arith.constant 16 : i32
      %mul3A_78 = arith.muli %scan3A_76, %mul3A_77 : i32
      %add3A_79 = arith.constant 80 : i32
      %add3A_80 = arith.addi %add3A_79, %mul3A_78 : i32
      %sub3A = arith.constant 2 : i32
      %sub3A_81 = arith.subi %add3A_80, %sub3A : i32
      %get3A = arith.index_cast %sub3A_81 : i32 to index
      %get3A_82 = tpu.vector_load %arg5[%get3A] {strides = array<i32>} : memref<1232xf32, #tpu.memory_space<vmem>>, vector<16xf32>,
      %get3A_83 = vector.shape_cast %get3A_82 : vector<16xf32> to vector<16xf32>
      %get3A_84 = arith.index_cast %mul3A_78 : i32 to index
      %get3A_85 = tpu.vector_load %arg7[%get3A_84] {strides = array<i32>} : memref<4608xf32, #tpu.memory_space<vmem>>, vector<16xf32>,
      %get3A_86 = vector.shape_cast %get3A_85 : vector<16xf32> to vector<16xf32>
      %mul3A_87 = arith.mulf %get3A_83, %get3A_86 : vector<16xf32>
      %add3A_88 = arith.constant 80 : i32
      %add3A_89 = arith.addi %add3A_88, %mul3A_78 : i32
      %sub3A_90 = arith.constant 66 : i32
      %sub3A_91 = arith.subi %add3A_89, %sub3A_90 : i32
      %get3A_92 = arith.index_cast %sub3A_91 : i32 to index
      %get3A_93 = tpu.vector_load %arg5[%get3A_92] {strides = array<i32>} : memref<1232xf32, #tpu.memory_space<vmem>>, vector<16xf32>,
      %get3A_94 = vector.shape_cast %get3A_93 : vector<16xf32> to vector<16xf32>
      %add3A_95 = arith.constant 1152 : i32
      %add3A_96 = arith.addi %add3A_95, %mul3A_78 : i32
      %get3A_97 = arith.index_cast %add3A_96 : i32 to index
      %get3A_98 = tpu.vector_load %arg7[%get3A_97] {strides = array<i32>} : memref<4608xf32, #tpu.memory_space<vmem>>, vector<16xf32>,
      %get3A_99 = vector.shape_cast %get3A_98 : vector<16xf32> to vector<16xf32>
      %mul3A_100 = arith.mulf %get3A_94, %get3A_99 : vector<16xf32>
      %add3A_101 = arith.addf %mul3A_87, %mul3A_100 : vector<16xf32>
      %add3A_102 = arith.constant 80 : i32
      %add3A_103 = arith.addi %add3A_102, %mul3A_78 : i32
      %sub3A_104 = arith.constant 68 : i32
      %sub3A_105 = arith.subi %add3A_103, %sub3A_104 : i32
      %get3A_106 = arith.index_cast %sub3A_105 : i32 to index
      %get3A_107 = tpu.vector_load %arg5[%get3A_106] {strides = array<i32>} : memref<1232xf32, #tpu.memory_space<vmem>>, vector<16xf32>,
      %get3A_108 = vector.shape_cast %get3A_107 : vector<16xf32> to vector<16xf32>
      %add3A_109 = arith.constant 2304 : i32
      %add3A_110 = arith.addi %add3A_109, %mul3A_78 : i32
      %get3A_111 = arith.index_cast %add3A_110 : i32 to index
      %get3A_112 = tpu.vector_load %arg7[%get3A_111] {strides = array<i32>} : memref<4608xf32, #tpu.memory_space<vmem>>, vector<16xf32>,
      %get3A_113 = vector.shape_cast %get3A_112 : vector<16xf32> to vector<16xf32>
      %mul3A_114 = arith.mulf %get3A_108, %get3A_113 : vector<16xf32>
      %add3A_115 = arith.addf %add3A_101, %mul3A_114 : vector<16xf32>
      %add3A_116 = arith.constant 80 : i32
      %add3A_117 = arith.addi %add3A_116, %mul3A_78 : i32
      %sub3A_118 = arith.constant 64 : i32
      %sub3A_119 = arith.subi %add3A_117, %sub3A_118 : i32
      %get3A_120 = arith.index_cast %sub3A_119 : i32 to index
      %get3A_121 = tpu.vector_load %arg5[%get3A_120] {strides = array<i32>} : memref<1232xf32, #tpu.memory_space<vmem>>, vector<16xf32>,
      %get3A_122 = vector.shape_cast %get3A_121 : vector<16xf32> to vector<16xf32>
      %add3A_123 = arith.constant 3456 : i32
      %add3A_124 = arith.addi %add3A_123, %mul3A_78 : i32
      %get3A_125 = arith.index_cast %add3A_124 : i32 to index
      %get3A_126 = tpu.vector_load %arg7[%get3A_125] {strides = array<i32>} : memref<4608xf32, #tpu.memory_space<vmem>>, vector<16xf32>,
      %get3A_127 = vector.shape_cast %get3A_126 : vector<16xf32> to vector<16xf32>
      %mul3A_128 = arith.mulf %get3A_122, %get3A_127 : vector<16xf32>
      %add3A_129 = arith.addf %add3A_115, %mul3A_128 : vector<16xf32>
      %swap3A_130 = arith.index_cast %mul3A_78 : i32 to index
      %swap3A_131 = tpu.vector_load %arg6[%swap3A_130] {strides = array<i32>} : memref<1152xf32, #tpu.memory_space<vmem>>, vector<16xf32>,
      %swap3A_132 = vector.shape_cast %swap3A_131 : vector<16xf32> to vector<16xf32>
      %swap3A_133 = vector.shape_cast %add3A_129 : vector<16xf32> to vector<16xf32>
      tpu.vector_store %arg6[%swap3A_130], %swap3A_133 {strides = array<i32>} : memref<1152xf32, #tpu.memory_space<vmem>>, vector<16xf32>,
    }
    %scan3A_45 = arith.constant 72 : i32
    %mul3A_46 = arith.constant 1152 : i32
    %mul3A_47 = arith.muli %add3A_37, %mul3A_46 : i32
    "tpu.region"() ({
      %run_scoped3A = tpu.sem_alloc : memref<!tpu.dma_semaphore, #tpu.memory_space<semaphore_mem>>
      %dma_start3A = tpu.memref_slice %arg4[%mul3A_47] : memref<147456xf32, #tpu.memory_space<hbm>> -> memref<1152xf32, #tpu.memory_space<hbm>>
      %dma_start3A_76 = tpu.memref_slice %arg4[%mul3A_47] : memref<147456xf32, #tpu.memory_space<hbm>> -> memref<1152xf32, #tpu.memory_space<hbm>>
      tpu.enqueue_dma source(%arg6 : memref<1152xf32, #tpu.memory_space<vmem>>) target(%dma_start3A_76 : memref<1152xf32, #tpu.memory_space<hbm>>) target_semaphore(%run_scoped3A : memref<!tpu.dma_semaphore, #tpu.memory_space<semaphore_mem>>)
      %dma_wait3A = tpu.memref_slice %arg4[%mul3A_47] : memref<147456xf32, #tpu.memory_space<hbm>> -> memref<1152xf32, #tpu.memory_space<hbm>>
      %dma_wait3A_77 = tpu.memref_slice %arg4[%mul3A_47] : memref<147456xf32, #tpu.memory_space<hbm>> -> memref<1152xf32, #tpu.memory_space<hbm>>
      tpu.wait_dma2 semaphore(%run_scoped3A : memref<!tpu.dma_semaphore, #tpu.memory_space<semaphore_mem>>) src(%arg6 : memref<1152xf32, #tpu.memory_space<vmem>>) dst(%dma_wait3A_77 : memref<1152xf32, #tpu.memory_space<hbm>>)
      tpu.yield
    }) : () -> ()
    %mul3A_48 = arith.constant 4 : i32
    %mul3A_49 = arith.muli %add3A, %mul3A_48 : i32
    %add3A_50 = arith.constant 2 : i32
    %add3A_51 = arith.addi %mul3A_49, %add3A_50 : i32
    %mul3A_52 = arith.constant 1152 : i32
    %mul3A_53 = arith.muli %add3A_51, %mul3A_52 : i32
    "tpu.region"() ({
      %run_scoped3A = tpu.sem_alloc : memref<!tpu.dma_semaphore, #tpu.memory_space<semaphore_mem>>
      %dma_start3A = arith.constant 80 : i32
      %dma_start3A_76 = tpu.memref_slice %arg5[%dma_start3A] : memref<1232xf32, #tpu.memory_space<vmem>> -> memref<1152xf32, #tpu.memory_space<vmem>>
      %dma_start3A_77 = tpu.memref_slice %arg2[%mul3A_53] : memref<147456xf32, #tpu.memory_space<hbm>> -> memref<1152xf32, #tpu.memory_space<hbm>>
      %dma_start3A_78 = arith.constant 80 : i32
      %dma_start3A_79 = tpu.memref_slice %arg5[%dma_start3A_78] : memref<1232xf32, #tpu.memory_space<vmem>> -> memref<1152xf32, #tpu.memory_space<vmem>>
      %dma_start3A_80 = tpu.memref_slice %arg2[%mul3A_53] : memref<147456xf32, #tpu.memory_space<hbm>> -> memref<1152xf32, #tpu.memory_space<hbm>>
      tpu.enqueue_dma source(%dma_start3A_80 : memref<1152xf32, #tpu.memory_space<hbm>>) target(%dma_start3A_79 : memref<1152xf32, #tpu.memory_space<vmem>>) target_semaphore(%run_scoped3A : memref<!tpu.dma_semaphore, #tpu.memory_space<semaphore_mem>>)
      %dma_wait3A = arith.constant 80 : i32
      %dma_wait3A_81 = tpu.memref_slice %arg5[%dma_wait3A] : memref<1232xf32, #tpu.memory_space<vmem>> -> memref<1152xf32, #tpu.memory_space<vmem>>
      %dma_wait3A_82 = tpu.memref_slice %arg2[%mul3A_53] : memref<147456xf32, #tpu.memory_space<hbm>> -> memref<1152xf32, #tpu.memory_space<hbm>>
      %dma_wait3A_83 = arith.constant 80 : i32
      %dma_wait3A_84 = tpu.memref_slice %arg5[%dma_wait3A_83] : memref<1232xf32, #tpu.memory_space<vmem>> -> memref<1152xf32, #tpu.memory_space<vmem>>
      %dma_wait3A_85 = tpu.memref_slice %arg2[%mul3A_53] : memref<147456xf32, #tpu.memory_space<hbm>> -> memref<1152xf32, #tpu.memory_space<hbm>>
      tpu.wait_dma2 semaphore(%run_scoped3A : memref<!tpu.dma_semaphore, #tpu.memory_space<semaphore_mem>>) src(%dma_wait3A_85 : memref<1152xf32, #tpu.memory_space<hbm>>) dst(%dma_wait3A_84 : memref<1152xf32, #tpu.memory_space<vmem>>)
      tpu.yield
    }) : () -> ()
    %scan3A_54 = arith.constant 0 : i32
    %scan3A_55 = arith.constant 0 : i32
    %scan3A_56 = arith.constant 72 : i32
    %scan3A_57 = arith.addi %scan3A_55, %scan3A_56 : i32
    %scan3A_58 = arith.constant 1 : i32
    scf.for %scan3A_76 = %scan3A_55 to %scan3A_57 step %scan3A_58  : i32 {
      %mul3A_77 = arith.constant 16 : i32
      %mul3A_78 = arith.muli %scan3A_76, %mul3A_77 : i32
      %add3A_79 = arith.constant 80 : i32
      %add3A_80 = arith.addi %add3A_79, %mul3A_78 : i32
      %sub3A = arith.constant 2 : i32
      %sub3A_81 = arith.subi %add3A_80, %sub3A : i32
      %get3A = arith.index_cast %sub3A_81 : i32 to index
      %get3A_82 = tpu.vector_load %arg5[%get3A] {strides = array<i32>} : memref<1232xf32, #tpu.memory_space<vmem>>, vector<16xf32>,
      %get3A_83 = vector.shape_cast %get3A_82 : vector<16xf32> to vector<16xf32>
      %get3A_84 = arith.index_cast %mul3A_78 : i32 to index
      %get3A_85 = tpu.vector_load %arg7[%get3A_84] {strides = array<i32>} : memref<4608xf32, #tpu.memory_space<vmem>>, vector<16xf32>,
      %get3A_86 = vector.shape_cast %get3A_85 : vector<16xf32> to vector<16xf32>
      %mul3A_87 = arith.mulf %get3A_83, %get3A_86 : vector<16xf32>
      %add3A_88 = arith.constant 80 : i32
      %add3A_89 = arith.addi %add3A_88, %mul3A_78 : i32
      %sub3A_90 = arith.constant 66 : i32
      %sub3A_91 = arith.subi %add3A_89, %sub3A_90 : i32
      %get3A_92 = arith.index_cast %sub3A_91 : i32 to index
      %get3A_93 = tpu.vector_load %arg5[%get3A_92] {strides = array<i32>} : memref<1232xf32, #tpu.memory_space<vmem>>, vector<16xf32>,
      %get3A_94 = vector.shape_cast %get3A_93 : vector<16xf32> to vector<16xf32>
      %add3A_95 = arith.constant 1152 : i32
      %add3A_96 = arith.addi %add3A_95, %mul3A_78 : i32
      %get3A_97 = arith.index_cast %add3A_96 : i32 to index
      %get3A_98 = tpu.vector_load %arg7[%get3A_97] {strides = array<i32>} : memref<4608xf32, #tpu.memory_space<vmem>>, vector<16xf32>,
      %get3A_99 = vector.shape_cast %get3A_98 : vector<16xf32> to vector<16xf32>
      %mul3A_100 = arith.mulf %get3A_94, %get3A_99 : vector<16xf32>
      %add3A_101 = arith.addf %mul3A_87, %mul3A_100 : vector<16xf32>
      %add3A_102 = arith.constant 80 : i32
      %add3A_103 = arith.addi %add3A_102, %mul3A_78 : i32
      %sub3A_104 = arith.constant 68 : i32
      %sub3A_105 = arith.subi %add3A_103, %sub3A_104 : i32
      %get3A_106 = arith.index_cast %sub3A_105 : i32 to index
      %get3A_107 = tpu.vector_load %arg5[%get3A_106] {strides = array<i32>} : memref<1232xf32, #tpu.memory_space<vmem>>, vector<16xf32>,
      %get3A_108 = vector.shape_cast %get3A_107 : vector<16xf32> to vector<16xf32>
      %add3A_109 = arith.constant 2304 : i32
      %add3A_110 = arith.addi %add3A_109, %mul3A_78 : i32
      %get3A_111 = arith.index_cast %add3A_110 : i32 to index
      %get3A_112 = tpu.vector_load %arg7[%get3A_111] {strides = array<i32>} : memref<4608xf32, #tpu.memory_space<vmem>>, vector<16xf32>,
      %get3A_113 = vector.shape_cast %get3A_112 : vector<16xf32> to vector<16xf32>
      %mul3A_114 = arith.mulf %get3A_108, %get3A_113 : vector<16xf32>
      %add3A_115 = arith.addf %add3A_101, %mul3A_114 : vector<16xf32>
      %add3A_116 = arith.constant 80 : i32
      %add3A_117 = arith.addi %add3A_116, %mul3A_78 : i32
      %sub3A_118 = arith.constant 64 : i32
      %sub3A_119 = arith.subi %add3A_117, %sub3A_118 : i32
      %get3A_120 = arith.index_cast %sub3A_119 : i32 to index
      %get3A_121 = tpu.vector_load %arg5[%get3A_120] {strides = array<i32>} : memref<1232xf32, #tpu.memory_space<vmem>>, vector<16xf32>,
      %get3A_122 = vector.shape_cast %get3A_121 : vector<16xf32> to vector<16xf32>
      %add3A_123 = arith.constant 3456 : i32
      %add3A_124 = arith.addi %add3A_123, %mul3A_78 : i32
      %get3A_125 = arith.index_cast %add3A_124 : i32 to index
      %get3A_126 = tpu.vector_load %arg7[%get3A_125] {strides = array<i32>} : memref<4608xf32, #tpu.memory_space<vmem>>, vector<16xf32>,
      %get3A_127 = vector.shape_cast %get3A_126 : vector<16xf32> to vector<16xf32>
      %mul3A_128 = arith.mulf %get3A_122, %get3A_127 : vector<16xf32>
      %add3A_129 = arith.addf %add3A_115, %mul3A_128 : vector<16xf32>
      %swap3A_130 = arith.index_cast %mul3A_78 : i32 to index
      %swap3A_131 = tpu.vector_load %arg6[%swap3A_130] {strides = array<i32>} : memref<1152xf32, #tpu.memory_space<vmem>>, vector<16xf32>,
      %swap3A_132 = vector.shape_cast %swap3A_131 : vector<16xf32> to vector<16xf32>
      %swap3A_133 = vector.shape_cast %add3A_129 : vector<16xf32> to vector<16xf32>
      tpu.vector_store %arg6[%swap3A_130], %swap3A_133 {strides = array<i32>} : memref<1152xf32, #tpu.memory_space<vmem>>, vector<16xf32>,
    }
    %scan3A_59 = arith.constant 72 : i32
    %mul3A_60 = arith.constant 1152 : i32
    %mul3A_61 = arith.muli %add3A_51, %mul3A_60 : i32
    "tpu.region"() ({
      %run_scoped3A = tpu.sem_alloc : memref<!tpu.dma_semaphore, #tpu.memory_space<semaphore_mem>>
      %dma_start3A = tpu.memref_slice %arg4[%mul3A_61] : memref<147456xf32, #tpu.memory_space<hbm>> -> memref<1152xf32, #tpu.memory_space<hbm>>
      %dma_start3A_76 = tpu.memref_slice %arg4[%mul3A_61] : memref<147456xf32, #tpu.memory_space<hbm>> -> memref<1152xf32, #tpu.memory_space<hbm>>
      tpu.enqueue_dma source(%arg6 : memref<1152xf32, #tpu.memory_space<vmem>>) target(%dma_start3A_76 : memref<1152xf32, #tpu.memory_space<hbm>>) target_semaphore(%run_scoped3A : memref<!tpu.dma_semaphore, #tpu.memory_space<semaphore_mem>>)
      %dma_wait3A = tpu.memref_slice %arg4[%mul3A_61] : memref<147456xf32, #tpu.memory_space<hbm>> -> memref<1152xf32, #tpu.memory_space<hbm>>
      %dma_wait3A_77 = tpu.memref_slice %arg4[%mul3A_61] : memref<147456xf32, #tpu.memory_space<hbm>> -> memref<1152xf32, #tpu.memory_space<hbm>>
      tpu.wait_dma2 semaphore(%run_scoped3A : memref<!tpu.dma_semaphore, #tpu.memory_space<semaphore_mem>>) src(%arg6 : memref<1152xf32, #tpu.memory_space<vmem>>) dst(%dma_wait3A_77 : memref<1152xf32, #tpu.memory_space<hbm>>)
      tpu.yield
    }) : () -> ()
    %mul3A_62 = arith.constant 4 : i32
    %mul3A_63 = arith.muli %add3A, %mul3A_62 : i32
    %add3A_64 = arith.constant 3 : i32
    %add3A_65 = arith.addi %mul3A_63, %add3A_64 : i32
    %mul3A_66 = arith.constant 1152 : i32
    %mul3A_67 = arith.muli %add3A_65, %mul3A_66 : i32
    "tpu.region"() ({
      %run_scoped3A = tpu.sem_alloc : memref<!tpu.dma_semaphore, #tpu.memory_space<semaphore_mem>>
      %dma_start3A = arith.constant 80 : i32
      %dma_start3A_76 = tpu.memref_slice %arg5[%dma_start3A] : memref<1232xf32, #tpu.memory_space<vmem>> -> memref<1152xf32, #tpu.memory_space<vmem>>
      %dma_start3A_77 = tpu.memref_slice %arg2[%mul3A_67] : memref<147456xf32, #tpu.memory_space<hbm>> -> memref<1152xf32, #tpu.memory_space<hbm>>
      %dma_start3A_78 = arith.constant 80 : i32
      %dma_start3A_79 = tpu.memref_slice %arg5[%dma_start3A_78] : memref<1232xf32, #tpu.memory_space<vmem>> -> memref<1152xf32, #tpu.memory_space<vmem>>
      %dma_start3A_80 = tpu.memref_slice %arg2[%mul3A_67] : memref<147456xf32, #tpu.memory_space<hbm>> -> memref<1152xf32, #tpu.memory_space<hbm>>
      tpu.enqueue_dma source(%dma_start3A_80 : memref<1152xf32, #tpu.memory_space<hbm>>) target(%dma_start3A_79 : memref<1152xf32, #tpu.memory_space<vmem>>) target_semaphore(%run_scoped3A : memref<!tpu.dma_semaphore, #tpu.memory_space<semaphore_mem>>)
      %dma_wait3A = arith.constant 80 : i32
      %dma_wait3A_81 = tpu.memref_slice %arg5[%dma_wait3A] : memref<1232xf32, #tpu.memory_space<vmem>> -> memref<1152xf32, #tpu.memory_space<vmem>>
      %dma_wait3A_82 = tpu.memref_slice %arg2[%mul3A_67] : memref<147456xf32, #tpu.memory_space<hbm>> -> memref<1152xf32, #tpu.memory_space<hbm>>
      %dma_wait3A_83 = arith.constant 80 : i32
      %dma_wait3A_84 = tpu.memref_slice %arg5[%dma_wait3A_83] : memref<1232xf32, #tpu.memory_space<vmem>> -> memref<1152xf32, #tpu.memory_space<vmem>>
      %dma_wait3A_85 = tpu.memref_slice %arg2[%mul3A_67] : memref<147456xf32, #tpu.memory_space<hbm>> -> memref<1152xf32, #tpu.memory_space<hbm>>
      tpu.wait_dma2 semaphore(%run_scoped3A : memref<!tpu.dma_semaphore, #tpu.memory_space<semaphore_mem>>) src(%dma_wait3A_85 : memref<1152xf32, #tpu.memory_space<hbm>>) dst(%dma_wait3A_84 : memref<1152xf32, #tpu.memory_space<vmem>>)
      tpu.yield
    }) : () -> ()
    %scan3A_68 = arith.constant 0 : i32
    %scan3A_69 = arith.constant 0 : i32
    %scan3A_70 = arith.constant 72 : i32
    %scan3A_71 = arith.addi %scan3A_69, %scan3A_70 : i32
    %scan3A_72 = arith.constant 1 : i32
    scf.for %scan3A_76 = %scan3A_69 to %scan3A_71 step %scan3A_72  : i32 {
      %mul3A_77 = arith.constant 16 : i32
      %mul3A_78 = arith.muli %scan3A_76, %mul3A_77 : i32
      %add3A_79 = arith.constant 80 : i32
      %add3A_80 = arith.addi %add3A_79, %mul3A_78 : i32
      %sub3A = arith.constant 2 : i32
      %sub3A_81 = arith.subi %add3A_80, %sub3A : i32
      %get3A = arith.index_cast %sub3A_81 : i32 to index
      %get3A_82 = tpu.vector_load %arg5[%get3A] {strides = array<i32>} : memref<1232xf32, #tpu.memory_space<vmem>>, vector<16xf32>,
      %get3A_83 = vector.shape_cast %get3A_82 : vector<16xf32> to vector<16xf32>
      %get3A_84 = arith.index_cast %mul3A_78 : i32 to index
      %get3A_85 = tpu.vector_load %arg7[%get3A_84] {strides = array<i32>} : memref<4608xf32, #tpu.memory_space<vmem>>, vector<16xf32>,
      %get3A_86 = vector.shape_cast %get3A_85 : vector<16xf32> to vector<16xf32>
      %mul3A_87 = arith.mulf %get3A_83, %get3A_86 : vector<16xf32>
      %add3A_88 = arith.constant 80 : i32
      %add3A_89 = arith.addi %add3A_88, %mul3A_78 : i32
      %sub3A_90 = arith.constant 66 : i32
      %sub3A_91 = arith.subi %add3A_89, %sub3A_90 : i32
      %get3A_92 = arith.index_cast %sub3A_91 : i32 to index
      %get3A_93 = tpu.vector_load %arg5[%get3A_92] {strides = array<i32>} : memref<1232xf32, #tpu.memory_space<vmem>>, vector<16xf32>,
      %get3A_94 = vector.shape_cast %get3A_93 : vector<16xf32> to vector<16xf32>
      %add3A_95 = arith.constant 1152 : i32
      %add3A_96 = arith.addi %add3A_95, %mul3A_78 : i32
      %get3A_97 = arith.index_cast %add3A_96 : i32 to index
      %get3A_98 = tpu.vector_load %arg7[%get3A_97] {strides = array<i32>} : memref<4608xf32, #tpu.memory_space<vmem>>, vector<16xf32>,
      %get3A_99 = vector.shape_cast %get3A_98 : vector<16xf32> to vector<16xf32>
      %mul3A_100 = arith.mulf %get3A_94, %get3A_99 : vector<16xf32>
      %add3A_101 = arith.addf %mul3A_87, %mul3A_100 : vector<16xf32>
      %add3A_102 = arith.constant 80 : i32
      %add3A_103 = arith.addi %add3A_102, %mul3A_78 : i32
      %sub3A_104 = arith.constant 68 : i32
      %sub3A_105 = arith.subi %add3A_103, %sub3A_104 : i32
      %get3A_106 = arith.index_cast %sub3A_105 : i32 to index
      %get3A_107 = tpu.vector_load %arg5[%get3A_106] {strides = array<i32>} : memref<1232xf32, #tpu.memory_space<vmem>>, vector<16xf32>,
      %get3A_108 = vector.shape_cast %get3A_107 : vector<16xf32> to vector<16xf32>
      %add3A_109 = arith.constant 2304 : i32
      %add3A_110 = arith.addi %add3A_109, %mul3A_78 : i32
      %get3A_111 = arith.index_cast %add3A_110 : i32 to index
      %get3A_112 = tpu.vector_load %arg7[%get3A_111] {strides = array<i32>} : memref<4608xf32, #tpu.memory_space<vmem>>, vector<16xf32>,
      %get3A_113 = vector.shape_cast %get3A_112 : vector<16xf32> to vector<16xf32>
      %mul3A_114 = arith.mulf %get3A_108, %get3A_113 : vector<16xf32>
      %add3A_115 = arith.addf %add3A_101, %mul3A_114 : vector<16xf32>
      %add3A_116 = arith.constant 80 : i32
      %add3A_117 = arith.addi %add3A_116, %mul3A_78 : i32
      %sub3A_118 = arith.constant 64 : i32
      %sub3A_119 = arith.subi %add3A_117, %sub3A_118 : i32
      %get3A_120 = arith.index_cast %sub3A_119 : i32 to index
      %get3A_121 = tpu.vector_load %arg5[%get3A_120] {strides = array<i32>} : memref<1232xf32, #tpu.memory_space<vmem>>, vector<16xf32>,
      %get3A_122 = vector.shape_cast %get3A_121 : vector<16xf32> to vector<16xf32>
      %add3A_123 = arith.constant 3456 : i32
      %add3A_124 = arith.addi %add3A_123, %mul3A_78 : i32
      %get3A_125 = arith.index_cast %add3A_124 : i32 to index
      %get3A_126 = tpu.vector_load %arg7[%get3A_125] {strides = array<i32>} : memref<4608xf32, #tpu.memory_space<vmem>>, vector<16xf32>,
      %get3A_127 = vector.shape_cast %get3A_126 : vector<16xf32> to vector<16xf32>
      %mul3A_128 = arith.mulf %get3A_122, %get3A_127 : vector<16xf32>
      %add3A_129 = arith.addf %add3A_115, %mul3A_128 : vector<16xf32>
      %swap3A_130 = arith.index_cast %mul3A_78 : i32 to index
      %swap3A_131 = tpu.vector_load %arg6[%swap3A_130] {strides = array<i32>} : memref<1152xf32, #tpu.memory_space<vmem>>, vector<16xf32>,
      %swap3A_132 = vector.shape_cast %swap3A_131 : vector<16xf32> to vector<16xf32>
      %swap3A_133 = vector.shape_cast %add3A_129 : vector<16xf32> to vector<16xf32>
      tpu.vector_store %arg6[%swap3A_130], %swap3A_133 {strides = array<i32>} : memref<1152xf32, #tpu.memory_space<vmem>>, vector<16xf32>,
    }
    %scan3A_73 = arith.constant 72 : i32
    %mul3A_74 = arith.constant 1152 : i32
    %mul3A_75 = arith.muli %add3A_65, %mul3A_74 : i32
    "tpu.region"() ({
      %run_scoped3A = tpu.sem_alloc : memref<!tpu.dma_semaphore, #tpu.memory_space<semaphore_mem>>
      %dma_start3A = tpu.memref_slice %arg4[%mul3A_75] : memref<147456xf32, #tpu.memory_space<hbm>> -> memref<1152xf32, #tpu.memory_space<hbm>>
      %dma_start3A_76 = tpu.memref_slice %arg4[%mul3A_75] : memref<147456xf32, #tpu.memory_space<hbm>> -> memref<1152xf32, #tpu.memory_space<hbm>>
      tpu.enqueue_dma source(%arg6 : memref<1152xf32, #tpu.memory_space<vmem>>) target(%dma_start3A_76 : memref<1152xf32, #tpu.memory_space<hbm>>) target_semaphore(%run_scoped3A : memref<!tpu.dma_semaphore, #tpu.memory_space<semaphore_mem>>)
      %dma_wait3A = tpu.memref_slice %arg4[%mul3A_75] : memref<147456xf32, #tpu.memory_space<hbm>> -> memref<1152xf32, #tpu.memory_space<hbm>>
      %dma_wait3A_77 = tpu.memref_slice %arg4[%mul3A_75] : memref<147456xf32, #tpu.memory_space<hbm>> -> memref<1152xf32, #tpu.memory_space<hbm>>
      tpu.wait_dma2 semaphore(%run_scoped3A : memref<!tpu.dma_semaphore, #tpu.memory_space<semaphore_mem>>) src(%arg6 : memref<1152xf32, #tpu.memory_space<vmem>>) dst(%dma_wait3A_77 : memref<1152xf32, #tpu.memory_space<hbm>>)
      tpu.yield
    }) : () -> ()
    return
  }
}

module attributes {stable_mosaic.version = 14 : i64} {
  func.func @_tc_body(%arg0: i32, %arg1: memref<1x1089x128xf32, #tpu.memory_space<vmem>>, %arg2: memref<8x128x128xf32, #tpu.memory_space<vmem>>, %arg3: memref<8x128xf32, #tpu.memory_space<vmem>>, %arg4: memref<128x1152xf32, #tpu.memory_space<vmem>>, %arg5: memref<128x1024xf32, #tpu.memory_space<vmem>>, %arg6: memref<1x8x1089x128xf32, #tpu.memory_space<vmem>>, %arg7: memref<8x1089x128xf32, #tpu.memory_space<vmem>>) attributes {dimension_semantics = [#tpu.dimension_semantics<arbitrary>], iteration_bounds = array<i64: 64>, scalar_prefetch = 0 : i64, scratch_operands = 1 : i64, tpu.core_type = #tpu.core_type<tc>, window_params = [{transform_indices = @transform_0, window_bounds = array<i64: 1, 1089, 128>}, {pipeline_mode = #tpu.pipeline_mode<synchronous>, transform_indices = @transform_1, window_bounds = array<i64: 8, 128, 128>}, {pipeline_mode = #tpu.pipeline_mode<synchronous>, transform_indices = @transform_2, window_bounds = array<i64: 8, 128>}, {pipeline_mode = #tpu.pipeline_mode<synchronous>, transform_indices = @transform_3, window_bounds = array<i64: 128, 1152>}, {pipeline_mode = #tpu.pipeline_mode<synchronous>, transform_indices = @transform_4, window_bounds = array<i64: 128, 1024>}, {transform_indices = @transform_5, window_bounds = array<i64: 1, 8, 1089, 128>}]} {
    %eq3A = arith.constant 0 : i32
    %eq3A_0 = arith.cmpi eq, %arg0, %eq3A : i32
    %convert_element_type3A = arith.extui %eq3A_0 : i1 to i32
    %cond3A = arith.constant 0 : i32
    %cond3A_1 = arith.cmpi ne, %convert_element_type3A, %cond3A : i32
    scf.if %cond3A_1 {
      %get3A_318 = arith.constant 0 : index
      %get3A_319 = arith.constant 0 : index
      %get3A_320 = vector.load %arg4[%get3A_318, %get3A_319] : memref<128x1152xf32, #tpu.memory_space<vmem>>, vector<128x1152xf32>
      %slice3A = vector.extract_strided_slice %get3A_320 {offsets = [0, 0], sizes = [128, 1089], strides = [1, 1]} : vector<128x1152xf32> to vector<128x1089xf32>
      %get3A_321 = arith.constant 0 : index
      %get3A_322 = arith.constant 0 : index
      %get3A_323 = vector.load %arg5[%get3A_321, %get3A_322] : memref<128x1024xf32, #tpu.memory_space<vmem>>, vector<128x1024xf32>
      %dot_general3A_324 = arith.constant dense<0.000000e+00> : vector<1089x1024xf32>
      %dot_general3A_325 = tpu.matmul %slice3A, %get3A_323, %dot_general3A_324 {dimension_numbers = #tpu.dot_dimension_numbers<[0], [0], [1], [1], [0, 1, 1, 1], [], []>, transpose_lhs_hint = false} : vector<128x1089xf32>, vector<128x1024xf32>, vector<1089x1024xf32> -> vector<1089x1024xf32>
      %slice3A_326 = vector.extract_strided_slice %dot_general3A_325 {offsets = [0, 0], sizes = [1089, 128], strides = [1, 1]} : vector<1089x1024xf32> to vector<1089x128xf32>
      %swap3A_327 = arith.constant 0 : index
      %swap3A_328 = arith.constant 0 : index
      %swap3A_329 = arith.constant 0 : index
      %swap3A_330 = vector.load %arg7[%swap3A_327, %swap3A_328, %swap3A_329] : memref<8x1089x128xf32, #tpu.memory_space<vmem>>, vector<1x1089x128xf32>
      %swap3A_331 = vector.shape_cast %swap3A_330 : vector<1x1089x128xf32> to vector<1089x128xf32>
      %swap3A_332 = vector.shape_cast %slice3A_326 : vector<1089x128xf32> to vector<1x1089x128xf32>
      tpu.vector_store %arg7[%swap3A_327, %swap3A_328, %swap3A_329], %swap3A_332 {strides = array<i32>} : memref<8x1089x128xf32, #tpu.memory_space<vmem>>, vector<1x1089x128xf32>,
      %slice3A_333 = vector.extract_strided_slice %dot_general3A_325 {offsets = [0, 128], sizes = [1089, 128], strides = [1, 1]} : vector<1089x1024xf32> to vector<1089x128xf32>
      %swap3A_334 = arith.constant 1 : index
      %swap3A_335 = arith.constant 0 : index
      %swap3A_336 = arith.constant 0 : index
      %swap3A_337 = vector.load %arg7[%swap3A_334, %swap3A_335, %swap3A_336] : memref<8x1089x128xf32, #tpu.memory_space<vmem>>, vector<1x1089x128xf32>
      %swap3A_338 = vector.shape_cast %swap3A_337 : vector<1x1089x128xf32> to vector<1089x128xf32>
      %swap3A_339 = vector.shape_cast %slice3A_333 : vector<1089x128xf32> to vector<1x1089x128xf32>
      tpu.vector_store %arg7[%swap3A_334, %swap3A_335, %swap3A_336], %swap3A_339 {strides = array<i32>} : memref<8x1089x128xf32, #tpu.memory_space<vmem>>, vector<1x1089x128xf32>,
      %slice3A_340 = vector.extract_strided_slice %dot_general3A_325 {offsets = [0, 256], sizes = [1089, 128], strides = [1, 1]} : vector<1089x1024xf32> to vector<1089x128xf32>
      %swap3A_341 = arith.constant 2 : index
      %swap3A_342 = arith.constant 0 : index
      %swap3A_343 = arith.constant 0 : index
      %swap3A_344 = vector.load %arg7[%swap3A_341, %swap3A_342, %swap3A_343] : memref<8x1089x128xf32, #tpu.memory_space<vmem>>, vector<1x1089x128xf32>
      %swap3A_345 = vector.shape_cast %swap3A_344 : vector<1x1089x128xf32> to vector<1089x128xf32>
      %swap3A_346 = vector.shape_cast %slice3A_340 : vector<1089x128xf32> to vector<1x1089x128xf32>
      tpu.vector_store %arg7[%swap3A_341, %swap3A_342, %swap3A_343], %swap3A_346 {strides = array<i32>} : memref<8x1089x128xf32, #tpu.memory_space<vmem>>, vector<1x1089x128xf32>,
      %slice3A_347 = vector.extract_strided_slice %dot_general3A_325 {offsets = [0, 384], sizes = [1089, 128], strides = [1, 1]} : vector<1089x1024xf32> to vector<1089x128xf32>
      %swap3A_348 = arith.constant 3 : index
      %swap3A_349 = arith.constant 0 : index
      %swap3A_350 = arith.constant 0 : index
      %swap3A_351 = vector.load %arg7[%swap3A_348, %swap3A_349, %swap3A_350] : memref<8x1089x128xf32, #tpu.memory_space<vmem>>, vector<1x1089x128xf32>
      %swap3A_352 = vector.shape_cast %swap3A_351 : vector<1x1089x128xf32> to vector<1089x128xf32>
      %swap3A_353 = vector.shape_cast %slice3A_347 : vector<1089x128xf32> to vector<1x1089x128xf32>
      tpu.vector_store %arg7[%swap3A_348, %swap3A_349, %swap3A_350], %swap3A_353 {strides = array<i32>} : memref<8x1089x128xf32, #tpu.memory_space<vmem>>, vector<1x1089x128xf32>,
      %slice3A_354 = vector.extract_strided_slice %dot_general3A_325 {offsets = [0, 512], sizes = [1089, 128], strides = [1, 1]} : vector<1089x1024xf32> to vector<1089x128xf32>
      %swap3A_355 = arith.constant 4 : index
      %swap3A_356 = arith.constant 0 : index
      %swap3A_357 = arith.constant 0 : index
      %swap3A_358 = vector.load %arg7[%swap3A_355, %swap3A_356, %swap3A_357] : memref<8x1089x128xf32, #tpu.memory_space<vmem>>, vector<1x1089x128xf32>
      %swap3A_359 = vector.shape_cast %swap3A_358 : vector<1x1089x128xf32> to vector<1089x128xf32>
      %swap3A_360 = vector.shape_cast %slice3A_354 : vector<1089x128xf32> to vector<1x1089x128xf32>
      tpu.vector_store %arg7[%swap3A_355, %swap3A_356, %swap3A_357], %swap3A_360 {strides = array<i32>} : memref<8x1089x128xf32, #tpu.memory_space<vmem>>, vector<1x1089x128xf32>,
      %slice3A_361 = vector.extract_strided_slice %dot_general3A_325 {offsets = [0, 640], sizes = [1089, 128], strides = [1, 1]} : vector<1089x1024xf32> to vector<1089x128xf32>
      %swap3A_362 = arith.constant 5 : index
      %swap3A_363 = arith.constant 0 : index
      %swap3A_364 = arith.constant 0 : index
      %swap3A_365 = vector.load %arg7[%swap3A_362, %swap3A_363, %swap3A_364] : memref<8x1089x128xf32, #tpu.memory_space<vmem>>, vector<1x1089x128xf32>
      %swap3A_366 = vector.shape_cast %swap3A_365 : vector<1x1089x128xf32> to vector<1089x128xf32>
      %swap3A_367 = vector.shape_cast %slice3A_361 : vector<1089x128xf32> to vector<1x1089x128xf32>
      tpu.vector_store %arg7[%swap3A_362, %swap3A_363, %swap3A_364], %swap3A_367 {strides = array<i32>} : memref<8x1089x128xf32, #tpu.memory_space<vmem>>, vector<1x1089x128xf32>,
      %slice3A_368 = vector.extract_strided_slice %dot_general3A_325 {offsets = [0, 768], sizes = [1089, 128], strides = [1, 1]} : vector<1089x1024xf32> to vector<1089x128xf32>
      %swap3A_369 = arith.constant 6 : index
      %swap3A_370 = arith.constant 0 : index
      %swap3A_371 = arith.constant 0 : index
      %swap3A_372 = vector.load %arg7[%swap3A_369, %swap3A_370, %swap3A_371] : memref<8x1089x128xf32, #tpu.memory_space<vmem>>, vector<1x1089x128xf32>
      %swap3A_373 = vector.shape_cast %swap3A_372 : vector<1x1089x128xf32> to vector<1089x128xf32>
      %swap3A_374 = vector.shape_cast %slice3A_368 : vector<1089x128xf32> to vector<1x1089x128xf32>
      tpu.vector_store %arg7[%swap3A_369, %swap3A_370, %swap3A_371], %swap3A_374 {strides = array<i32>} : memref<8x1089x128xf32, #tpu.memory_space<vmem>>, vector<1x1089x128xf32>,
      %slice3A_375 = vector.extract_strided_slice %dot_general3A_325 {offsets = [0, 896], sizes = [1089, 128], strides = [1, 1]} : vector<1089x1024xf32> to vector<1089x128xf32>
      %swap3A_376 = arith.constant 7 : index
      %swap3A_377 = arith.constant 0 : index
      %swap3A_378 = arith.constant 0 : index
      %swap3A_379 = vector.load %arg7[%swap3A_376, %swap3A_377, %swap3A_378] : memref<8x1089x128xf32, #tpu.memory_space<vmem>>, vector<1x1089x128xf32>
      %swap3A_380 = vector.shape_cast %swap3A_379 : vector<1x1089x128xf32> to vector<1089x128xf32>
      %swap3A_381 = vector.shape_cast %slice3A_375 : vector<1089x128xf32> to vector<1x1089x128xf32>
      tpu.vector_store %arg7[%swap3A_376, %swap3A_377, %swap3A_378], %swap3A_381 {strides = array<i32>} : memref<8x1089x128xf32, #tpu.memory_space<vmem>>, vector<1x1089x128xf32>,
    } else {
    }
    %get3A = arith.constant 0 : index
    %get3A_2 = arith.constant 0 : index
    %get3A_3 = arith.constant 0 : index
    %get3A_4 = vector.load %arg1[%get3A, %get3A_2, %get3A_3] : memref<1x1089x128xf32, #tpu.memory_space<vmem>>, vector<1x1089x128xf32>
    %get3A_5 = vector.shape_cast %get3A_4 : vector<1x1089x128xf32> to vector<1089x128xf32>
    %get3A_6 = arith.constant 0 : index
    %get3A_7 = arith.constant 0 : index
    %get3A_8 = arith.constant 0 : index
    %get3A_9 = vector.load %arg2[%get3A_6, %get3A_7, %get3A_8] : memref<8x128x128xf32, #tpu.memory_space<vmem>>, vector<1x128x128xf32>
    %get3A_10 = vector.shape_cast %get3A_9 : vector<1x128x128xf32> to vector<128x128xf32>
    %dot_general3A = arith.constant dense<0.000000e+00> : vector<1089x128xf32>
    %dot_general3A_11 = tpu.matmul %get3A_5, %get3A_10, %dot_general3A {dimension_numbers = #tpu.dot_dimension_numbers<[1], [0], [0], [1], [0, 0, 1, 1], [], []>, transpose_lhs_hint = false} : vector<1089x128xf32>, vector<128x128xf32>, vector<1089x128xf32> -> vector<1089x128xf32>
    %get3A_12 = arith.constant 0 : index
    %get3A_13 = arith.constant 0 : index
    %get3A_14 = vector.load %arg3[%get3A_12, %get3A_13] : memref<8x128xf32, #tpu.memory_space<vmem>>, vector<1x128xf32>
    %get3A_15 = vector.shape_cast %get3A_14 : vector<1x128xf32> to vector<128xf32>
    %broadcast_in_dim3A = vector.shape_cast %get3A_15 : vector<128xf32> to vector<1x128xf32>
    %add3A = vector.broadcast %broadcast_in_dim3A : vector<1x128xf32> to vector<1089x128xf32>
    %add3A_16 = arith.addf %dot_general3A_11, %add3A : vector<1089x128xf32>
    %eq3A_17 = arith.constant 0 : i32
    %eq3A_18 = arith.cmpi eq, %arg0, %eq3A_17 : i32
    %get3A_19 = arith.constant 0 : index
    %get3A_20 = arith.constant 0 : index
    %get3A_21 = arith.constant 0 : index
    %get3A_22 = vector.load %arg7[%get3A_19, %get3A_20, %get3A_21] : memref<8x1089x128xf32, #tpu.memory_space<vmem>>, vector<1x1089x128xf32>
    %get3A_23 = vector.shape_cast %get3A_22 : vector<1x1089x128xf32> to vector<1089x128xf32>
    %broadcast_in_dim3A_24 = arith.constant 0.000000e+00 : f32
    %broadcast_in_dim3A_25 = vector.broadcast %broadcast_in_dim3A_24 : f32 to vector<1089x128xf32>
    %select_n3A = arith.select %eq3A_18, %get3A_23, %broadcast_in_dim3A_25 : vector<1089x128xf32>
    %add3A_26 = arith.addf %add3A_16, %select_n3A : vector<1089x128xf32>
    %gt3A = arith.constant 0.000000e+00 : f32
    %gt3A_27 = vector.broadcast %gt3A : f32 to vector<1089x128xf32>
    %gt3A_28 = arith.cmpf ogt, %add3A_26, %gt3A_27 : vector<1089x128xf32>
    %exp3A = math.exp %add3A_26 : vector<1089x128xf32>
    %sub3A = arith.constant 1.000000e+00 : f32
    %sub3A_29 = vector.broadcast %sub3A : f32 to vector<1089x128xf32>
    %sub3A_30 = arith.subf %exp3A, %sub3A_29 : vector<1089x128xf32>
    %select_n3A_31 = arith.select %gt3A_28, %add3A_26, %sub3A_30 : vector<1089x128xi1>, vector<1089x128xf32>
    %swap3A = arith.constant 0 : index
    %swap3A_32 = arith.constant 0 : index
    %swap3A_33 = arith.constant 0 : index
    %swap3A_34 = arith.constant 0 : index
    %swap3A_35 = vector.load %arg6[%swap3A, %swap3A_32, %swap3A_33, %swap3A_34] : memref<1x8x1089x128xf32, #tpu.memory_space<vmem>>, vector<1x1x1089x128xf32>
    %swap3A_36 = vector.shape_cast %swap3A_35 : vector<1x1x1089x128xf32> to vector<1089x128xf32>
    %swap3A_37 = vector.shape_cast %select_n3A_31 : vector<1089x128xf32> to vector<1x1x1089x128xf32>
    tpu.vector_store %arg6[%swap3A, %swap3A_32, %swap3A_33, %swap3A_34], %swap3A_37 {strides = array<i32>} : memref<1x8x1089x128xf32, #tpu.memory_space<vmem>>, vector<1x1x1089x128xf32>,
    %get3A_38 = arith.constant 1 : index
    %get3A_39 = arith.constant 0 : index
    %get3A_40 = arith.constant 0 : index
    %get3A_41 = vector.load %arg2[%get3A_38, %get3A_39, %get3A_40] : memref<8x128x128xf32, #tpu.memory_space<vmem>>, vector<1x128x128xf32>
    %get3A_42 = vector.shape_cast %get3A_41 : vector<1x128x128xf32> to vector<128x128xf32>
    %dot_general3A_43 = arith.constant dense<0.000000e+00> : vector<1089x128xf32>
    %dot_general3A_44 = tpu.matmul %get3A_5, %get3A_42, %dot_general3A_43 {dimension_numbers = #tpu.dot_dimension_numbers<[1], [0], [0], [1], [0, 0, 1, 1], [], []>, transpose_lhs_hint = false} : vector<1089x128xf32>, vector<128x128xf32>, vector<1089x128xf32> -> vector<1089x128xf32>
    %get3A_45 = arith.constant 1 : index
    %get3A_46 = arith.constant 0 : index
    %get3A_47 = vector.load %arg3[%get3A_45, %get3A_46] : memref<8x128xf32, #tpu.memory_space<vmem>>, vector<1x128xf32>
    %get3A_48 = vector.shape_cast %get3A_47 : vector<1x128xf32> to vector<128xf32>
    %broadcast_in_dim3A_49 = vector.shape_cast %get3A_48 : vector<128xf32> to vector<1x128xf32>
    %add3A_50 = vector.broadcast %broadcast_in_dim3A_49 : vector<1x128xf32> to vector<1089x128xf32>
    %add3A_51 = arith.addf %dot_general3A_44, %add3A_50 : vector<1089x128xf32>
    %eq3A_52 = arith.constant 0 : i32
    %eq3A_53 = arith.cmpi eq, %arg0, %eq3A_52 : i32
    %get3A_54 = arith.constant 1 : index
    %get3A_55 = arith.constant 0 : index
    %get3A_56 = arith.constant 0 : index
    %get3A_57 = vector.load %arg7[%get3A_54, %get3A_55, %get3A_56] : memref<8x1089x128xf32, #tpu.memory_space<vmem>>, vector<1x1089x128xf32>
    %get3A_58 = vector.shape_cast %get3A_57 : vector<1x1089x128xf32> to vector<1089x128xf32>
    %broadcast_in_dim3A_59 = arith.constant 0.000000e+00 : f32
    %broadcast_in_dim3A_60 = vector.broadcast %broadcast_in_dim3A_59 : f32 to vector<1089x128xf32>
    %select_n3A_61 = arith.select %eq3A_53, %get3A_58, %broadcast_in_dim3A_60 : vector<1089x128xf32>
    %add3A_62 = arith.addf %add3A_51, %select_n3A_61 : vector<1089x128xf32>
    %gt3A_63 = arith.constant 0.000000e+00 : f32
    %gt3A_64 = vector.broadcast %gt3A_63 : f32 to vector<1089x128xf32>
    %gt3A_65 = arith.cmpf ogt, %add3A_62, %gt3A_64 : vector<1089x128xf32>
    %exp3A_66 = math.exp %add3A_62 : vector<1089x128xf32>
    %sub3A_67 = arith.constant 1.000000e+00 : f32
    %sub3A_68 = vector.broadcast %sub3A_67 : f32 to vector<1089x128xf32>
    %sub3A_69 = arith.subf %exp3A_66, %sub3A_68 : vector<1089x128xf32>
    %select_n3A_70 = arith.select %gt3A_65, %add3A_62, %sub3A_69 : vector<1089x128xi1>, vector<1089x128xf32>
    %swap3A_71 = arith.constant 0 : index
    %swap3A_72 = arith.constant 1 : index
    %swap3A_73 = arith.constant 0 : index
    %swap3A_74 = arith.constant 0 : index
    %swap3A_75 = vector.load %arg6[%swap3A_71, %swap3A_72, %swap3A_73, %swap3A_74] : memref<1x8x1089x128xf32, #tpu.memory_space<vmem>>, vector<1x1x1089x128xf32>
    %swap3A_76 = vector.shape_cast %swap3A_75 : vector<1x1x1089x128xf32> to vector<1089x128xf32>
    %swap3A_77 = vector.shape_cast %select_n3A_70 : vector<1089x128xf32> to vector<1x1x1089x128xf32>
    tpu.vector_store %arg6[%swap3A_71, %swap3A_72, %swap3A_73, %swap3A_74], %swap3A_77 {strides = array<i32>} : memref<1x8x1089x128xf32, #tpu.memory_space<vmem>>, vector<1x1x1089x128xf32>,
    %get3A_78 = arith.constant 2 : index
    %get3A_79 = arith.constant 0 : index
    %get3A_80 = arith.constant 0 : index
    %get3A_81 = vector.load %arg2[%get3A_78, %get3A_79, %get3A_80] : memref<8x128x128xf32, #tpu.memory_space<vmem>>, vector<1x128x128xf32>
    %get3A_82 = vector.shape_cast %get3A_81 : vector<1x128x128xf32> to vector<128x128xf32>
    %dot_general3A_83 = arith.constant dense<0.000000e+00> : vector<1089x128xf32>
    %dot_general3A_84 = tpu.matmul %get3A_5, %get3A_82, %dot_general3A_83 {dimension_numbers = #tpu.dot_dimension_numbers<[1], [0], [0], [1], [0, 0, 1, 1], [], []>, transpose_lhs_hint = false} : vector<1089x128xf32>, vector<128x128xf32>, vector<1089x128xf32> -> vector<1089x128xf32>
    %get3A_85 = arith.constant 2 : index
    %get3A_86 = arith.constant 0 : index
    %get3A_87 = vector.load %arg3[%get3A_85, %get3A_86] : memref<8x128xf32, #tpu.memory_space<vmem>>, vector<1x128xf32>
    %get3A_88 = vector.shape_cast %get3A_87 : vector<1x128xf32> to vector<128xf32>
    %broadcast_in_dim3A_89 = vector.shape_cast %get3A_88 : vector<128xf32> to vector<1x128xf32>
    %add3A_90 = vector.broadcast %broadcast_in_dim3A_89 : vector<1x128xf32> to vector<1089x128xf32>
    %add3A_91 = arith.addf %dot_general3A_84, %add3A_90 : vector<1089x128xf32>
    %eq3A_92 = arith.constant 0 : i32
    %eq3A_93 = arith.cmpi eq, %arg0, %eq3A_92 : i32
    %get3A_94 = arith.constant 2 : index
    %get3A_95 = arith.constant 0 : index
    %get3A_96 = arith.constant 0 : index
    %get3A_97 = vector.load %arg7[%get3A_94, %get3A_95, %get3A_96] : memref<8x1089x128xf32, #tpu.memory_space<vmem>>, vector<1x1089x128xf32>
    %get3A_98 = vector.shape_cast %get3A_97 : vector<1x1089x128xf32> to vector<1089x128xf32>
    %broadcast_in_dim3A_99 = arith.constant 0.000000e+00 : f32
    %broadcast_in_dim3A_100 = vector.broadcast %broadcast_in_dim3A_99 : f32 to vector<1089x128xf32>
    %select_n3A_101 = arith.select %eq3A_93, %get3A_98, %broadcast_in_dim3A_100 : vector<1089x128xf32>
    %add3A_102 = arith.addf %add3A_91, %select_n3A_101 : vector<1089x128xf32>
    %gt3A_103 = arith.constant 0.000000e+00 : f32
    %gt3A_104 = vector.broadcast %gt3A_103 : f32 to vector<1089x128xf32>
    %gt3A_105 = arith.cmpf ogt, %add3A_102, %gt3A_104 : vector<1089x128xf32>
    %exp3A_106 = math.exp %add3A_102 : vector<1089x128xf32>
    %sub3A_107 = arith.constant 1.000000e+00 : f32
    %sub3A_108 = vector.broadcast %sub3A_107 : f32 to vector<1089x128xf32>
    %sub3A_109 = arith.subf %exp3A_106, %sub3A_108 : vector<1089x128xf32>
    %select_n3A_110 = arith.select %gt3A_105, %add3A_102, %sub3A_109 : vector<1089x128xi1>, vector<1089x128xf32>
    %swap3A_111 = arith.constant 0 : index
    %swap3A_112 = arith.constant 2 : index
    %swap3A_113 = arith.constant 0 : index
    %swap3A_114 = arith.constant 0 : index
    %swap3A_115 = vector.load %arg6[%swap3A_111, %swap3A_112, %swap3A_113, %swap3A_114] : memref<1x8x1089x128xf32, #tpu.memory_space<vmem>>, vector<1x1x1089x128xf32>
    %swap3A_116 = vector.shape_cast %swap3A_115 : vector<1x1x1089x128xf32> to vector<1089x128xf32>
    %swap3A_117 = vector.shape_cast %select_n3A_110 : vector<1089x128xf32> to vector<1x1x1089x128xf32>
    tpu.vector_store %arg6[%swap3A_111, %swap3A_112, %swap3A_113, %swap3A_114], %swap3A_117 {strides = array<i32>} : memref<1x8x1089x128xf32, #tpu.memory_space<vmem>>, vector<1x1x1089x128xf32>,
    %get3A_118 = arith.constant 3 : index
    %get3A_119 = arith.constant 0 : index
    %get3A_120 = arith.constant 0 : index
    %get3A_121 = vector.load %arg2[%get3A_118, %get3A_119, %get3A_120] : memref<8x128x128xf32, #tpu.memory_space<vmem>>, vector<1x128x128xf32>
    %get3A_122 = vector.shape_cast %get3A_121 : vector<1x128x128xf32> to vector<128x128xf32>
    %dot_general3A_123 = arith.constant dense<0.000000e+00> : vector<1089x128xf32>
    %dot_general3A_124 = tpu.matmul %get3A_5, %get3A_122, %dot_general3A_123 {dimension_numbers = #tpu.dot_dimension_numbers<[1], [0], [0], [1], [0, 0, 1, 1], [], []>, transpose_lhs_hint = false} : vector<1089x128xf32>, vector<128x128xf32>, vector<1089x128xf32> -> vector<1089x128xf32>
    %get3A_125 = arith.constant 3 : index
    %get3A_126 = arith.constant 0 : index
    %get3A_127 = vector.load %arg3[%get3A_125, %get3A_126] : memref<8x128xf32, #tpu.memory_space<vmem>>, vector<1x128xf32>
    %get3A_128 = vector.shape_cast %get3A_127 : vector<1x128xf32> to vector<128xf32>
    %broadcast_in_dim3A_129 = vector.shape_cast %get3A_128 : vector<128xf32> to vector<1x128xf32>
    %add3A_130 = vector.broadcast %broadcast_in_dim3A_129 : vector<1x128xf32> to vector<1089x128xf32>
    %add3A_131 = arith.addf %dot_general3A_124, %add3A_130 : vector<1089x128xf32>
    %eq3A_132 = arith.constant 0 : i32
    %eq3A_133 = arith.cmpi eq, %arg0, %eq3A_132 : i32
    %get3A_134 = arith.constant 3 : index
    %get3A_135 = arith.constant 0 : index
    %get3A_136 = arith.constant 0 : index
    %get3A_137 = vector.load %arg7[%get3A_134, %get3A_135, %get3A_136] : memref<8x1089x128xf32, #tpu.memory_space<vmem>>, vector<1x1089x128xf32>
    %get3A_138 = vector.shape_cast %get3A_137 : vector<1x1089x128xf32> to vector<1089x128xf32>
    %broadcast_in_dim3A_139 = arith.constant 0.000000e+00 : f32
    %broadcast_in_dim3A_140 = vector.broadcast %broadcast_in_dim3A_139 : f32 to vector<1089x128xf32>
    %select_n3A_141 = arith.select %eq3A_133, %get3A_138, %broadcast_in_dim3A_140 : vector<1089x128xf32>
    %add3A_142 = arith.addf %add3A_131, %select_n3A_141 : vector<1089x128xf32>
    %gt3A_143 = arith.constant 0.000000e+00 : f32
    %gt3A_144 = vector.broadcast %gt3A_143 : f32 to vector<1089x128xf32>
    %gt3A_145 = arith.cmpf ogt, %add3A_142, %gt3A_144 : vector<1089x128xf32>
    %exp3A_146 = math.exp %add3A_142 : vector<1089x128xf32>
    %sub3A_147 = arith.constant 1.000000e+00 : f32
    %sub3A_148 = vector.broadcast %sub3A_147 : f32 to vector<1089x128xf32>
    %sub3A_149 = arith.subf %exp3A_146, %sub3A_148 : vector<1089x128xf32>
    %select_n3A_150 = arith.select %gt3A_145, %add3A_142, %sub3A_149 : vector<1089x128xi1>, vector<1089x128xf32>
    %swap3A_151 = arith.constant 0 : index
    %swap3A_152 = arith.constant 3 : index
    %swap3A_153 = arith.constant 0 : index
    %swap3A_154 = arith.constant 0 : index
    %swap3A_155 = vector.load %arg6[%swap3A_151, %swap3A_152, %swap3A_153, %swap3A_154] : memref<1x8x1089x128xf32, #tpu.memory_space<vmem>>, vector<1x1x1089x128xf32>
    %swap3A_156 = vector.shape_cast %swap3A_155 : vector<1x1x1089x128xf32> to vector<1089x128xf32>
    %swap3A_157 = vector.shape_cast %select_n3A_150 : vector<1089x128xf32> to vector<1x1x1089x128xf32>
    tpu.vector_store %arg6[%swap3A_151, %swap3A_152, %swap3A_153, %swap3A_154], %swap3A_157 {strides = array<i32>} : memref<1x8x1089x128xf32, #tpu.memory_space<vmem>>, vector<1x1x1089x128xf32>,
    %get3A_158 = arith.constant 4 : index
    %get3A_159 = arith.constant 0 : index
    %get3A_160 = arith.constant 0 : index
    %get3A_161 = vector.load %arg2[%get3A_158, %get3A_159, %get3A_160] : memref<8x128x128xf32, #tpu.memory_space<vmem>>, vector<1x128x128xf32>
    %get3A_162 = vector.shape_cast %get3A_161 : vector<1x128x128xf32> to vector<128x128xf32>
    %dot_general3A_163 = arith.constant dense<0.000000e+00> : vector<1089x128xf32>
    %dot_general3A_164 = tpu.matmul %get3A_5, %get3A_162, %dot_general3A_163 {dimension_numbers = #tpu.dot_dimension_numbers<[1], [0], [0], [1], [0, 0, 1, 1], [], []>, transpose_lhs_hint = false} : vector<1089x128xf32>, vector<128x128xf32>, vector<1089x128xf32> -> vector<1089x128xf32>
    %get3A_165 = arith.constant 4 : index
    %get3A_166 = arith.constant 0 : index
    %get3A_167 = vector.load %arg3[%get3A_165, %get3A_166] : memref<8x128xf32, #tpu.memory_space<vmem>>, vector<1x128xf32>
    %get3A_168 = vector.shape_cast %get3A_167 : vector<1x128xf32> to vector<128xf32>
    %broadcast_in_dim3A_169 = vector.shape_cast %get3A_168 : vector<128xf32> to vector<1x128xf32>
    %add3A_170 = vector.broadcast %broadcast_in_dim3A_169 : vector<1x128xf32> to vector<1089x128xf32>
    %add3A_171 = arith.addf %dot_general3A_164, %add3A_170 : vector<1089x128xf32>
    %eq3A_172 = arith.constant 0 : i32
    %eq3A_173 = arith.cmpi eq, %arg0, %eq3A_172 : i32
    %get3A_174 = arith.constant 4 : index
    %get3A_175 = arith.constant 0 : index
    %get3A_176 = arith.constant 0 : index
    %get3A_177 = vector.load %arg7[%get3A_174, %get3A_175, %get3A_176] : memref<8x1089x128xf32, #tpu.memory_space<vmem>>, vector<1x1089x128xf32>
    %get3A_178 = vector.shape_cast %get3A_177 : vector<1x1089x128xf32> to vector<1089x128xf32>
    %broadcast_in_dim3A_179 = arith.constant 0.000000e+00 : f32
    %broadcast_in_dim3A_180 = vector.broadcast %broadcast_in_dim3A_179 : f32 to vector<1089x128xf32>
    %select_n3A_181 = arith.select %eq3A_173, %get3A_178, %broadcast_in_dim3A_180 : vector<1089x128xf32>
    %add3A_182 = arith.addf %add3A_171, %select_n3A_181 : vector<1089x128xf32>
    %gt3A_183 = arith.constant 0.000000e+00 : f32
    %gt3A_184 = vector.broadcast %gt3A_183 : f32 to vector<1089x128xf32>
    %gt3A_185 = arith.cmpf ogt, %add3A_182, %gt3A_184 : vector<1089x128xf32>
    %exp3A_186 = math.exp %add3A_182 : vector<1089x128xf32>
    %sub3A_187 = arith.constant 1.000000e+00 : f32
    %sub3A_188 = vector.broadcast %sub3A_187 : f32 to vector<1089x128xf32>
    %sub3A_189 = arith.subf %exp3A_186, %sub3A_188 : vector<1089x128xf32>
    %select_n3A_190 = arith.select %gt3A_185, %add3A_182, %sub3A_189 : vector<1089x128xi1>, vector<1089x128xf32>
    %swap3A_191 = arith.constant 0 : index
    %swap3A_192 = arith.constant 4 : index
    %swap3A_193 = arith.constant 0 : index
    %swap3A_194 = arith.constant 0 : index
    %swap3A_195 = vector.load %arg6[%swap3A_191, %swap3A_192, %swap3A_193, %swap3A_194] : memref<1x8x1089x128xf32, #tpu.memory_space<vmem>>, vector<1x1x1089x128xf32>
    %swap3A_196 = vector.shape_cast %swap3A_195 : vector<1x1x1089x128xf32> to vector<1089x128xf32>
    %swap3A_197 = vector.shape_cast %select_n3A_190 : vector<1089x128xf32> to vector<1x1x1089x128xf32>
    tpu.vector_store %arg6[%swap3A_191, %swap3A_192, %swap3A_193, %swap3A_194], %swap3A_197 {strides = array<i32>} : memref<1x8x1089x128xf32, #tpu.memory_space<vmem>>, vector<1x1x1089x128xf32>,
    %get3A_198 = arith.constant 5 : index
    %get3A_199 = arith.constant 0 : index
    %get3A_200 = arith.constant 0 : index
    %get3A_201 = vector.load %arg2[%get3A_198, %get3A_199, %get3A_200] : memref<8x128x128xf32, #tpu.memory_space<vmem>>, vector<1x128x128xf32>
    %get3A_202 = vector.shape_cast %get3A_201 : vector<1x128x128xf32> to vector<128x128xf32>
    %dot_general3A_203 = arith.constant dense<0.000000e+00> : vector<1089x128xf32>
    %dot_general3A_204 = tpu.matmul %get3A_5, %get3A_202, %dot_general3A_203 {dimension_numbers = #tpu.dot_dimension_numbers<[1], [0], [0], [1], [0, 0, 1, 1], [], []>, transpose_lhs_hint = false} : vector<1089x128xf32>, vector<128x128xf32>, vector<1089x128xf32> -> vector<1089x128xf32>
    %get3A_205 = arith.constant 5 : index
    %get3A_206 = arith.constant 0 : index
    %get3A_207 = vector.load %arg3[%get3A_205, %get3A_206] : memref<8x128xf32, #tpu.memory_space<vmem>>, vector<1x128xf32>
    %get3A_208 = vector.shape_cast %get3A_207 : vector<1x128xf32> to vector<128xf32>
    %broadcast_in_dim3A_209 = vector.shape_cast %get3A_208 : vector<128xf32> to vector<1x128xf32>
    %add3A_210 = vector.broadcast %broadcast_in_dim3A_209 : vector<1x128xf32> to vector<1089x128xf32>
    %add3A_211 = arith.addf %dot_general3A_204, %add3A_210 : vector<1089x128xf32>
    %eq3A_212 = arith.constant 0 : i32
    %eq3A_213 = arith.cmpi eq, %arg0, %eq3A_212 : i32
    %get3A_214 = arith.constant 5 : index
    %get3A_215 = arith.constant 0 : index
    %get3A_216 = arith.constant 0 : index
    %get3A_217 = vector.load %arg7[%get3A_214, %get3A_215, %get3A_216] : memref<8x1089x128xf32, #tpu.memory_space<vmem>>, vector<1x1089x128xf32>
    %get3A_218 = vector.shape_cast %get3A_217 : vector<1x1089x128xf32> to vector<1089x128xf32>
    %broadcast_in_dim3A_219 = arith.constant 0.000000e+00 : f32
    %broadcast_in_dim3A_220 = vector.broadcast %broadcast_in_dim3A_219 : f32 to vector<1089x128xf32>
    %select_n3A_221 = arith.select %eq3A_213, %get3A_218, %broadcast_in_dim3A_220 : vector<1089x128xf32>
    %add3A_222 = arith.addf %add3A_211, %select_n3A_221 : vector<1089x128xf32>
    %gt3A_223 = arith.constant 0.000000e+00 : f32
    %gt3A_224 = vector.broadcast %gt3A_223 : f32 to vector<1089x128xf32>
    %gt3A_225 = arith.cmpf ogt, %add3A_222, %gt3A_224 : vector<1089x128xf32>
    %exp3A_226 = math.exp %add3A_222 : vector<1089x128xf32>
    %sub3A_227 = arith.constant 1.000000e+00 : f32
    %sub3A_228 = vector.broadcast %sub3A_227 : f32 to vector<1089x128xf32>
    %sub3A_229 = arith.subf %exp3A_226, %sub3A_228 : vector<1089x128xf32>
    %select_n3A_230 = arith.select %gt3A_225, %add3A_222, %sub3A_229 : vector<1089x128xi1>, vector<1089x128xf32>
    %swap3A_231 = arith.constant 0 : index
    %swap3A_232 = arith.constant 5 : index
    %swap3A_233 = arith.constant 0 : index
    %swap3A_234 = arith.constant 0 : index
    %swap3A_235 = vector.load %arg6[%swap3A_231, %swap3A_232, %swap3A_233, %swap3A_234] : memref<1x8x1089x128xf32, #tpu.memory_space<vmem>>, vector<1x1x1089x128xf32>
    %swap3A_236 = vector.shape_cast %swap3A_235 : vector<1x1x1089x128xf32> to vector<1089x128xf32>
    %swap3A_237 = vector.shape_cast %select_n3A_230 : vector<1089x128xf32> to vector<1x1x1089x128xf32>
    tpu.vector_store %arg6[%swap3A_231, %swap3A_232, %swap3A_233, %swap3A_234], %swap3A_237 {strides = array<i32>} : memref<1x8x1089x128xf32, #tpu.memory_space<vmem>>, vector<1x1x1089x128xf32>,
    %get3A_238 = arith.constant 6 : index
    %get3A_239 = arith.constant 0 : index
    %get3A_240 = arith.constant 0 : index
    %get3A_241 = vector.load %arg2[%get3A_238, %get3A_239, %get3A_240] : memref<8x128x128xf32, #tpu.memory_space<vmem>>, vector<1x128x128xf32>
    %get3A_242 = vector.shape_cast %get3A_241 : vector<1x128x128xf32> to vector<128x128xf32>
    %dot_general3A_243 = arith.constant dense<0.000000e+00> : vector<1089x128xf32>
    %dot_general3A_244 = tpu.matmul %get3A_5, %get3A_242, %dot_general3A_243 {dimension_numbers = #tpu.dot_dimension_numbers<[1], [0], [0], [1], [0, 0, 1, 1], [], []>, transpose_lhs_hint = false} : vector<1089x128xf32>, vector<128x128xf32>, vector<1089x128xf32> -> vector<1089x128xf32>
    %get3A_245 = arith.constant 6 : index
    %get3A_246 = arith.constant 0 : index
    %get3A_247 = vector.load %arg3[%get3A_245, %get3A_246] : memref<8x128xf32, #tpu.memory_space<vmem>>, vector<1x128xf32>
    %get3A_248 = vector.shape_cast %get3A_247 : vector<1x128xf32> to vector<128xf32>
    %broadcast_in_dim3A_249 = vector.shape_cast %get3A_248 : vector<128xf32> to vector<1x128xf32>
    %add3A_250 = vector.broadcast %broadcast_in_dim3A_249 : vector<1x128xf32> to vector<1089x128xf32>
    %add3A_251 = arith.addf %dot_general3A_244, %add3A_250 : vector<1089x128xf32>
    %eq3A_252 = arith.constant 0 : i32
    %eq3A_253 = arith.cmpi eq, %arg0, %eq3A_252 : i32
    %get3A_254 = arith.constant 6 : index
    %get3A_255 = arith.constant 0 : index
    %get3A_256 = arith.constant 0 : index
    %get3A_257 = vector.load %arg7[%get3A_254, %get3A_255, %get3A_256] : memref<8x1089x128xf32, #tpu.memory_space<vmem>>, vector<1x1089x128xf32>
    %get3A_258 = vector.shape_cast %get3A_257 : vector<1x1089x128xf32> to vector<1089x128xf32>
    %broadcast_in_dim3A_259 = arith.constant 0.000000e+00 : f32
    %broadcast_in_dim3A_260 = vector.broadcast %broadcast_in_dim3A_259 : f32 to vector<1089x128xf32>
    %select_n3A_261 = arith.select %eq3A_253, %get3A_258, %broadcast_in_dim3A_260 : vector<1089x128xf32>
    %add3A_262 = arith.addf %add3A_251, %select_n3A_261 : vector<1089x128xf32>
    %gt3A_263 = arith.constant 0.000000e+00 : f32
    %gt3A_264 = vector.broadcast %gt3A_263 : f32 to vector<1089x128xf32>
    %gt3A_265 = arith.cmpf ogt, %add3A_262, %gt3A_264 : vector<1089x128xf32>
    %exp3A_266 = math.exp %add3A_262 : vector<1089x128xf32>
    %sub3A_267 = arith.constant 1.000000e+00 : f32
    %sub3A_268 = vector.broadcast %sub3A_267 : f32 to vector<1089x128xf32>
    %sub3A_269 = arith.subf %exp3A_266, %sub3A_268 : vector<1089x128xf32>
    %select_n3A_270 = arith.select %gt3A_265, %add3A_262, %sub3A_269 : vector<1089x128xi1>, vector<1089x128xf32>
    %swap3A_271 = arith.constant 0 : index
    %swap3A_272 = arith.constant 6 : index
    %swap3A_273 = arith.constant 0 : index
    %swap3A_274 = arith.constant 0 : index
    %swap3A_275 = vector.load %arg6[%swap3A_271, %swap3A_272, %swap3A_273, %swap3A_274] : memref<1x8x1089x128xf32, #tpu.memory_space<vmem>>, vector<1x1x1089x128xf32>
    %swap3A_276 = vector.shape_cast %swap3A_275 : vector<1x1x1089x128xf32> to vector<1089x128xf32>
    %swap3A_277 = vector.shape_cast %select_n3A_270 : vector<1089x128xf32> to vector<1x1x1089x128xf32>
    tpu.vector_store %arg6[%swap3A_271, %swap3A_272, %swap3A_273, %swap3A_274], %swap3A_277 {strides = array<i32>} : memref<1x8x1089x128xf32, #tpu.memory_space<vmem>>, vector<1x1x1089x128xf32>,
    %get3A_278 = arith.constant 7 : index
    %get3A_279 = arith.constant 0 : index
    %get3A_280 = arith.constant 0 : index
    %get3A_281 = vector.load %arg2[%get3A_278, %get3A_279, %get3A_280] : memref<8x128x128xf32, #tpu.memory_space<vmem>>, vector<1x128x128xf32>
    %get3A_282 = vector.shape_cast %get3A_281 : vector<1x128x128xf32> to vector<128x128xf32>
    %dot_general3A_283 = arith.constant dense<0.000000e+00> : vector<1089x128xf32>
    %dot_general3A_284 = tpu.matmul %get3A_5, %get3A_282, %dot_general3A_283 {dimension_numbers = #tpu.dot_dimension_numbers<[1], [0], [0], [1], [0, 0, 1, 1], [], []>, transpose_lhs_hint = false} : vector<1089x128xf32>, vector<128x128xf32>, vector<1089x128xf32> -> vector<1089x128xf32>
    %get3A_285 = arith.constant 7 : index
    %get3A_286 = arith.constant 0 : index
    %get3A_287 = vector.load %arg3[%get3A_285, %get3A_286] : memref<8x128xf32, #tpu.memory_space<vmem>>, vector<1x128xf32>
    %get3A_288 = vector.shape_cast %get3A_287 : vector<1x128xf32> to vector<128xf32>
    %broadcast_in_dim3A_289 = vector.shape_cast %get3A_288 : vector<128xf32> to vector<1x128xf32>
    %add3A_290 = vector.broadcast %broadcast_in_dim3A_289 : vector<1x128xf32> to vector<1089x128xf32>
    %add3A_291 = arith.addf %dot_general3A_284, %add3A_290 : vector<1089x128xf32>
    %eq3A_292 = arith.constant 0 : i32
    %eq3A_293 = arith.cmpi eq, %arg0, %eq3A_292 : i32
    %get3A_294 = arith.constant 7 : index
    %get3A_295 = arith.constant 0 : index
    %get3A_296 = arith.constant 0 : index
    %get3A_297 = vector.load %arg7[%get3A_294, %get3A_295, %get3A_296] : memref<8x1089x128xf32, #tpu.memory_space<vmem>>, vector<1x1089x128xf32>
    %get3A_298 = vector.shape_cast %get3A_297 : vector<1x1089x128xf32> to vector<1089x128xf32>
    %broadcast_in_dim3A_299 = arith.constant 0.000000e+00 : f32
    %broadcast_in_dim3A_300 = vector.broadcast %broadcast_in_dim3A_299 : f32 to vector<1089x128xf32>
    %select_n3A_301 = arith.select %eq3A_293, %get3A_298, %broadcast_in_dim3A_300 : vector<1089x128xf32>
    %add3A_302 = arith.addf %add3A_291, %select_n3A_301 : vector<1089x128xf32>
    %gt3A_303 = arith.constant 0.000000e+00 : f32
    %gt3A_304 = vector.broadcast %gt3A_303 : f32 to vector<1089x128xf32>
    %gt3A_305 = arith.cmpf ogt, %add3A_302, %gt3A_304 : vector<1089x128xf32>
    %exp3A_306 = math.exp %add3A_302 : vector<1089x128xf32>
    %sub3A_307 = arith.constant 1.000000e+00 : f32
    %sub3A_308 = vector.broadcast %sub3A_307 : f32 to vector<1089x128xf32>
    %sub3A_309 = arith.subf %exp3A_306, %sub3A_308 : vector<1089x128xf32>
    %select_n3A_310 = arith.select %gt3A_305, %add3A_302, %sub3A_309 : vector<1089x128xi1>, vector<1089x128xf32>
    %swap3A_311 = arith.constant 0 : index
    %swap3A_312 = arith.constant 7 : index
    %swap3A_313 = arith.constant 0 : index
    %swap3A_314 = arith.constant 0 : index
    %swap3A_315 = vector.load %arg6[%swap3A_311, %swap3A_312, %swap3A_313, %swap3A_314] : memref<1x8x1089x128xf32, #tpu.memory_space<vmem>>, vector<1x1x1089x128xf32>
    %swap3A_316 = vector.shape_cast %swap3A_315 : vector<1x1x1089x128xf32> to vector<1089x128xf32>
    %swap3A_317 = vector.shape_cast %select_n3A_310 : vector<1089x128xf32> to vector<1x1x1089x128xf32>
    tpu.vector_store %arg6[%swap3A_311, %swap3A_312, %swap3A_313, %swap3A_314], %swap3A_317 {strides = array<i32>} : memref<1x8x1089x128xf32, #tpu.memory_space<vmem>>, vector<1x1x1089x128xf32>,
    return
  }
  func.func @transform_0(%arg0: i32) -> (i32, i32, i32) {
    %c0_i32 = arith.constant 0 : i32
    %c0_i32_0 = arith.constant 0 : i32
    %c0_i32_1 = arith.constant 0 : i32
    return %arg0, %c0_i32, %c0_i32_0 : i32, i32, i32
  }
  func.func @transform_1(%arg0: i32) -> (i32, i32, i32) {
    %c0_i32 = arith.constant 0 : i32
    %c0_i32_0 = arith.constant 0 : i32
    %c0_i32_1 = arith.constant 0 : i32
    %c0_i32_2 = arith.constant 0 : i32
    return %c0_i32, %c0_i32_0, %c0_i32_1 : i32, i32, i32
  }
  func.func @transform_2(%arg0: i32) -> (i32, i32) {
    %c0_i32 = arith.constant 0 : i32
    %c0_i32_0 = arith.constant 0 : i32
    %c0_i32_1 = arith.constant 0 : i32
    return %c0_i32, %c0_i32_0 : i32, i32
  }
  func.func @transform_3(%arg0: i32) -> (i32, i32) {
    %c0_i32 = arith.constant 0 : i32
    %c0_i32_0 = arith.constant 0 : i32
    %c0_i32_1 = arith.constant 0 : i32
    return %c0_i32, %c0_i32_0 : i32, i32
  }
  func.func @transform_4(%arg0: i32) -> (i32, i32) {
    %c0_i32 = arith.constant 0 : i32
    %c0_i32_0 = arith.constant 0 : i32
    %c0_i32_1 = arith.constant 0 : i32
    return %c0_i32, %c0_i32_0 : i32, i32
  }
  func.func @transform_5(%arg0: i32) -> (i32, i32, i32, i32) {
    %c0_i32 = arith.constant 0 : i32
    %c0_i32_0 = arith.constant 0 : i32
    %c0_i32_1 = arith.constant 0 : i32
    %c0_i32_2 = arith.constant 0 : i32
    return %arg0, %c0_i32, %c0_i32_0, %c0_i32_1 : i32, i32, i32, i32
  }
}

</mosaic_0001>

<sc_bundles>
// kernel: kernel.4.cloned.1.call-start
scs
__scs_entry_jumppad:
0x0: {  	(pc) =	sbr.rel $0x88, $3  }
0x1: {  	(tag) =	ssettag $0x0;
	lr =	simm.s32 $0x1  }
0x2: {  	[smem:$0x3F9D] =	sst lr;
	_ =	strace $0xD0000000  }
0x3: {  	_ = 	snop  }
0x4: {  	_ = 	snop  }
0x5: {  	_ = 	snop  }
0x6: {  	_ = 	snop  }
0x7: {  	_ = 	snop  }
__scs_overlays_trampoline_lowered:
0x8: {  	[smem:$0x3FAC] =	sst s0  }
0x9: {  	[smem:$0x3FAD] =	sst s1  }
0xa: {  	[smem:$0x3FAE] =	sst s2  }
0xb: {  	[smem:$0x3FAF] =	sst s3  }
0xc: {  	[smem:$0x3FB0] =	sst s4  }
0xd: {  	[smem:$0x3FB1] =	sst s5  }
0xe: {  	[smem:$0x3FB2] =	sst s6  }
0xf: {  	[smem:$0x3FB3] =	sst s7  }
0x10: {  	[smem:$0x3FB4] =	sst s8  }
0x11: {  	[smem:$0x3FB5] =	sst s9;
	s0 =	simm.s32 @!p0 $0x0  }
0x12: {  	s1 =	sld [smem:$0x3F9B];
	s0 =	simm.s32 @p0 $0x1  }
0x13: {  	[smem:$0x3FB6] =	sst s0;
	s0 =	simm.s32 @!p1 $0x0  }
0x14: {  	s2 =	sld [smem:$0x3F9A];
	s0 =	simm.s32 @p1 $0x1  }
0x15: {  	[smem:$0x3FB7] =	sst s0;
	s0 =	simm.s32 @!p2 $0x0  }
0x16: {  	s3 =	sld [smem:$0x3FDB];
	s0 =	simm.s32 @p2 $0x1  }
0x17: {  	s4 =	simm.s32 $0x1BF5;
	[smem:$0x3FB9] =	sst s0  }
0x18: {  	s0 =	sld [smem:$0x3F9C];
	_ =	swait.ge [sflag:s4], $0x0  }
0x19: {  	s7 =	sld [smem:$0x3F9D]  }
0x1a: {  	s8 =	sadd.s32 $0xFFFFE003, lr  }
0x1b: {  	s9 =	sadd.s32 $0xFFFFFEF7, lr;
	s5 =	simm.s32 $0xFFFFFFFF;
	p2 =	slt.u32 s8, $0xFFFFF086  }
0x1c: {  	p1 =	slt.u32 s9, $0xF7A;
	s5 =	simm.s32 @!p2 $0x0  }
0x1d: {  	s5 =	simm.s32 @p1 $0x1;
	p0 =	seq.s32 s7, s2  }
0x1e: {  	s7 =	smul.u32 @!p0 $0xF7A, s2;
	p2 =	seq.s32 @!p0 s5, $0x0  }
0x1f: {  	s9 =	smul.u32 $0xF7A, s1;
	s8 =	simm.s32 @!p0 $0x1BF5;
	p2 =	por !p2, p0  }
0x20: {  	[sflag:s8] =	ssyncset.s32 @!p0 $0xFFFFF086;
	s6 =	sadd.s32 @!p0 s3, s7;
	s7 =	simm.s32 @!p0 $0x108  }
0x21: {  	s3 =	sadd.s32 s3, s9;
	s6 =	sadd.s32 @!p0 $0x88, s6;
	s7 =	simm.s32 @p2 $0x1082  }
0x22: {  	[simem:s7], [sflag:s8] =	dma.local @!p0 [hbm:s6], $0xF7A  }
0x23: {  	s9 =	sor.u32 $0xD0000000, s2;
	s6 =	simm.s32 $0x108;
	_ =	swait.ge @!p0 [sflag:s8], $0x0  }
0x24: {  	s3 =	sadd.s32 $0x88, s3;
	s6 =	simm.s32 @!p1 $0x1082;
	[sflag:s4] =	ssyncset.s32 $0xFFFFF086  }
0x25: {  	[simem:s6], [sflag:s4] =	dma.local [hbm:s3], $0xF7A  }
0x26: {  	[smem:$0x3F9D] =	sst s1;
	(tag) =	ssettag s2;
	_ =	strace s9  }
0x27: {  	s1 =	sld [smem:$0x3FAD]  }
0x28: {  	s2 =	sld [smem:$0x3FAE]  }
0x29: {  	s4 =	sld [smem:$0x3FB0]  }
0x2a: {  	p0 =	seq.s32 s5, $0x0;
	s5 =	sld [smem:$0x3FB1]  }
0x2b: {  	s6 =	sld [smem:$0x3FB2]  }
0x2c: {  	s7 =	sld [smem:$0x3FB3]  }
0x2d: {  	s3 =	simm.s32 $0x108;
	s8 =	sld [smem:$0x3FB4]  }
0x2e: {  	s3 =	simm.s32 @!p0 $0x1082;
	s9 =	sld [smem:$0x3FB5]  }
0x2f: {  	lr =	sadd.s32 s0, s3;
	s0 =	sld [smem:$0x3FAC]  }
0x30: {  	s3 =	sld [smem:$0x3FAF]  }
0x31: {  	[smem:$0x3FB8] =	sst s10  }
0x32: {  	s10 =	sld [smem:$0x3FB6];
	_ =	sdelay $0x3  }
0x33: {  	p0 =	seq.s32 s10, $0x1;
	s10 =	sld [smem:$0x3FB8];
	_ =	sdelay $0x3  }
0x34: {  	[smem:$0x3FB8] =	sst s10  }
0x35: {  	s10 =	sld [smem:$0x3FB7];
	_ =	sdelay $0x3  }
0x36: {  	p1 =	seq.s32 s10, $0x1;
	s10 =	sld [smem:$0x3FB8];
	_ =	sdelay $0x3  }
0x37: {  	[smem:$0x3FB8] =	sst s10  }
0x38: {  	s10 =	sld [smem:$0x3FB9]  }
0x39: {  	_ = 	snop;
	(pc) =	sbr.ind lr, $3  }
0x3a: {  	_ = 	snop  }
0x3b: {  	_ = 	snop  }
0x3c: {  	p2 =	seq.s32 s10, $0x1;
	s10 =	sld [smem:$0x3FB8]  }
0x3d: {  	_ =	shalt  }
0x3e: {  	_ =	shalt  }
0x3f: {  	_ =	shalt  }
0x40: {  	_ =	shalt  }
0x41: {  	_ =	shalt  }
0x42: {  	_ =	shalt  }
0x43: {  	_ =	shalt  }
0x44: {  	_ =	shalt  }
0x45: {  	_ =	shalt  }
0x46: {  	_ =	shalt  }
0x47: {  	_ =	shalt  }
0x48: {  	_ =	shalt  }
0x49: {  	_ =	shalt  }
0x4a: {  	_ =	shalt  }
0x4b: {  	_ =	shalt  }
0x4c: {  	_ =	shalt  }
0x4d: {  	_ =	shalt  }
0x4e: {  	_ =	shalt  }
0x4f: {  	_ =	shalt  }
0x50: {  	_ =	shalt  }
0x51: {  	_ =	shalt  }
0x52: {  	_ =	shalt  }
0x53: {  	_ =	shalt  }
0x54: {  	_ =	shalt  }
0x55: {  	_ =	shalt  }
0x56: {  	_ =	shalt  }
0x57: {  	_ =	shalt  }
0x58: {  	_ =	shalt  }
0x59: {  	_ =	shalt  }
0x5a: {  	_ =	shalt  }
0x5b: {  	_ =	shalt  }
0x5c: {  	_ =	shalt  }
0x5d: {  	_ =	shalt  }
0x5e: {  	_ =	shalt  }
0x5f: {  	_ =	shalt  }
0x60: {  	_ =	shalt  }
0x61: {  	_ =	shalt  }
0x62: {  	_ =	shalt  }
0x63: {  	_ =	shalt  }
0x64: {  	_ =	shalt  }
0x65: {  	_ =	shalt  }
0x66: {  	_ =	shalt  }
0x67: {  	_ =	shalt  }
0x68: {  	_ =	shalt  }
0x69: {  	_ =	shalt  }
0x6a: {  	_ =	shalt  }
0x6b: {  	_ =	shalt  }
0x6c: {  	_ =	shalt  }
0x6d: {  	_ =	shalt  }
0x6e: {  	_ =	shalt  }
0x6f: {  	_ =	shalt  }
0x70: {  	_ =	shalt  }
0x71: {  	_ =	shalt  }
0x72: {  	_ =	shalt  }
0x73: {  	_ =	shalt  }
0x74: {  	_ =	shalt  }
0x75: {  	_ =	shalt  }
0x76: {  	_ =	shalt  }
0x77: {  	_ =	shalt  }
0x78: {  	_ =	shalt  }
0x79: {  	_ =	shalt  }
0x7a: {  	_ =	shalt  }
0x7b: {  	_ =	shalt  }
0x7c: {  	_ =	shalt  }
0x7d: {  	_ =	shalt  }
0x7e: {  	_ =	shalt  }
0x7f: {  	_ =	shalt  }
0x80: {  	_ =	shalt  }
0x81: {  	_ =	shalt  }
0x82: {  	_ =	shalt  }
0x83: {  	_ =	shalt  }
0x84: {  	_ =	shalt  }
0x85: {  	_ =	shalt  }
0x86: {  	_ =	shalt  }
0x87: {  	_ =	shalt  }
.Lfunc_end0:
.L_simem_size_0:
called_computation.2_lowered:
.L_overlay_start_0:
0x88: {  	s2 =	sld [smem:$0x3FD9]  }
0x89: {  	s3 =	sld [smem:$0x3FFE];
	_ =	sdelay $0x1  }
0x8a: {  	s1 =	srdreg.scid  }
0x8b: {  	s0 =	sand.u32 $0x1, s1  }
0x8c: {  	s17 =	sshll.u32 s0, $0xA;
	s2 =	sadd.s32 s3, s2  }
0x8d: {  	s2 =	sadd.s32 s2, s17  }
0x8e: {  	[smem:$0x3FC4] =	sst s2  }
0x8f: {  	_ = 	snop  }
0x90: {  	s2 =	sld [smem:$0x3FD0];
	(tm) =	ssettm $0x1  }
0x91: {  	s18 =	sld [smem:$0x3FFB];
	_ =	sdelay $0x3  }
0x92: {  	_ =	strace s18  }
0x93: {  	s3 =	sld [smem:$0x3FFC];
	_ =	sdelay $0x3  }
0x94: {  	_ =	strace s3  }
0x95: {  	s3 =	sld [smem:$0x3FFD];
	_ =	sdelay $0x3  }
0x96: {  	_ =	strace s3  }
0x97: {  	_ =	strace $0x8FFFFFFF  }
0x98: {  	s19 =	sld [smem:$0x3FDB];
	_ =	sdelay $0x1  }
0x99: {  	s4 =	simm.s32 $_scs_section_size  }
0x9a: {  	s5 =	simm.s32 $_size__tile_overlayer_lowered;
	s6 =	simm.s32 $_tile_overlayer_lowered  }
0x9b: {  	s22 =	simm.s32 $0x1BFF;
	s21 =	sshll.u32 s6, $0x1;
	s3 =	sadd.s32 s4, s19  }
0x9c: {  	s7 =	simm.s32 $0x0;
	s20 =	sshll.u32 s5, $0x1;
	s5 =	sadd.s32 s21, s3  }
0x9d: {  	[timem:s7], [sflag:s22] =	dma.local [hbm:s5], s20  }
0x9e: {  	_ =	swait.ge [sflag:s22], s20  }
0x9f: {  	s4 =	ssub.s32 $0x0, s20;
	[sflag:s22] =	ssyncset.done $0x0  }
0xa0: {  	[sflag:s22] =	ssyncadd.s32 s4;
	_ =	sdelay $0x1  }
0xa1: {  	s23 =	simm.s32 $0x1B8B  }
0xa2: {  	_ =	swait.ge [sflag:s23], $0x1  }
0xa3: {  	[sflag:s23] =	ssyncset.done $0x0  }
0xa4: {  	s25 =	simm.s32 $0x1B8E;
	s24 =	sld [smem:$0x3FFE];
	[sflag:s23] =	ssyncadd.s32 $0xFFFFFFFF  }
0xa5: {  	s26 =	simm.s32 $execute0_lowered;
	[smem:$0x3FD2] =	sst s25  }
0xa6: {  	s5 =	sshll.u32 s26, $0x1;
	_ =	strace $0x80000046;
	[dreg:$0x1] =	wrdreg $0xFFFFFFFF  }
0xa7: {  	s28 =	simm.s32 $_size_execute0_lowered;
	s3 =	sadd.s32 s3, s5;
	[dreg:$0x0] =	wrdreg $0x0  }
0xa8: {  	s5 =	sshll.u32 s28, $0x1;
	[dreg:$0x2] =	wrdreg s3  }
0xa9: {  	[dreg:$0x3] =	wrdreg s5  }
0xaa: {  	[dreg:$0x4] =	wrdreg $0xC0  }
0xab: {  	_ =	task [dreg:s7], $0x5FFFF  }
0xac: {  	[dreg:$0x1] =	wrdreg $0xFFFFFFFF  }
0xad: {  	[dreg:$0x0] =	wrdreg $0x60  }
0xae: {  	[dreg:$0x2] =	wrdreg s2  }
0xaf: {  	[dreg:$0x3] =	wrdreg s24  }
0xb0: {  	[dreg:$0x4] =	wrdreg $0xA  }
0xb1: {  	_ =	task.clear_ibuf [dreg:s7], $0x5FFFF;
	_ =	strace $0x90000046  }
0xb2: {  	s29 =	simm.s32 $0xA;
	_ =	strace $0x80000048  }
0xb3: {  	_ =	swait.ge [sflag:s29], $0x1  }
0xb4: {  	[sflag:s29] =	ssyncadd.s32 $0xFFFFFFFF  }
0xb5: {  	_ =	strace $0x90000048  }
0xb6: {  	_ =	sfence  }
0xb7: {  	s30 =	sld [smem:$0x0];
	_ =	sdelay $0x2  }
0xb8: {  	s31 =	sshll.u32 s1, $0xD;
	s1 =	sshrl.u32 s1, $0x2  }
0xb9: {  	s3 =	sand.u32 $0x4000, s31;
	s1 =	sadd.s32 s1, s30  }
0xba: {  	s0 =	sor.u32 s3, s0;
	s1 =	sshll.u32 s1, $0x11  }
0xbb: {  	s0 =	sor.u32 s1, s0  }
0xbc: {  	s0 =	sadd.s32 $0x8F2B, s0  }
0xbd: {  	[sflag:s0] =	ssyncadd.remote.s32 $0x1  }
0xbe: {  	_ =	sfence.sel $0xFFFF  }
0xbf: {  	[dreg:$0x0] =	wrdreg $0xFFFFFFFF;
	(pc) =	sbr.abs _section_cstart, $3  }
0xc0: {  	[dreg:$0x1] =	wrdreg $0xFFFFFFFF  }
0xc1: {  	_ =	task.clear_ibuf [dreg:s7], $0x2FFFF;
	_ =	strace $0x9FFFFFFF  }
0xc2: {  	(tm) =	ssettm $0x7FFFFFFF  }
0xc3: {  	_ =	shalt  }
tec
execute0_lowered:
.L_overlay_start_1:
0x0: {  	(tag) =	ssettag $0x1  }
0x1: {  	s10 =	rddreg [dreg:$0x0];
	s1 =	srdreg.scid  }
0x2: {  	s0 =	stileid.u32;
	s4 =	rddreg [dreg:$0x1];
	s2 =	simm.s32 $0x0  }
0x3: {  	s15 =	simm.s32 $0x500;
	s5 =	sand.u32 $0x1, s1;
	s3 =	sshll.u32 s0, $0x1  }
0x4: {  	s16 =	simm.s32 $0x0;
	s1 =	rddreg [dreg:$0x2];
	s6 =	sor.u32 s5, s3  }
0x5: {  	[smem:$0x7FF] =	sst s2;
	s5 =	ssub.s32 $0x2, s5;
	s7 =	smul.u32 $0x1200, s6  }
0x6: {  	s11 =	sadd.s32 $0xE00, s4;
	s8 =	sshrl.u32 s5, $0x1;
	s6 =	smul.u32 $0x240, s6  }
0x7: {  	_ =	strace $0x80000047;
	s3 =	sadd.s32 $0xA00, s4;
	s12 =	ssub.s32 s5, s8  }
0x8: {  	s9 =	sshrl.u32 s7, $0x3;
	s4 =	sadd.s32 s10, s6;
	s5 =	sadd.s32 s11, s6  }
0x9: {  	s12 =	smax.u32 s12, $0x1;
	s7 =	sadd.s32 $0x90, s9;
	s13 =	sadd.s32 $0x120, s9  }
0xa: {  	s14 =	sadd.s32 $0x1B0, s9;
	s6 =	sadd.s32 s10, s7;
	s7 =	sadd.s32 s11, s7  }
0xb: {  	s8 =	sadd.s32 s10, s13;
	s9 =	sadd.s32 s11, s13;
	s10 =	sadd.s32 s10, s14  }
0xc: {  	v0 =	vimm.f32 $0.0e+00;
	s11 =	sadd.s32 s11, s14;
	s13 =	simm.s32 $0x1;
	s14 =	simm.s32 $0x50  }
.LBB2_1:
0xd: {  	s17 =	simm.s32 $0x980  }
0xe: {  	[tilespmem:s17], [sflag:$0x1] =	stream.linear.gather [hbm4b:s3+s2], $0x1200, $0x38;
	[tilespmem:$0x1B80] =	vst v63  }
0xf: {  	_ =	swait.ge [sflag:s13], $0x1200  }
0x10: {  	[sflag:s13] =	ssyncset.done $0x0  }
0x11: {  	[sflag:s13] =	ssyncadd.s32 $0xFFFFEE00  }
0x12: {  	[tilespmem:$0x0] =	vst v0  }
0x13: {  	[tilespmem:$0x10] =	vst v0  }
0x14: {  	[tilespmem:$0x20] =	vst v0  }
0x15: {  	[tilespmem:$0x30] =	vst v0  }
0x16: {  	[tilespmem:$0x40] =	vst v0  }
0x17: {  	[tilespmem:s14], [sflag:$0x1] =	stream.linear.gather [hbm4b:s4+s2], $0x480, $0x38;
	[tilespmem:$0x1B80] =	vst v63  }
0x18: {  	_ =	swait.ge [sflag:s13], $0x480  }
0x19: {  	[sflag:s13] =	ssyncset.done $0x0  }
0x1a: {  	[sflag:s13] =	ssyncadd.s32 $0xFFFFFB80  }
0x1b: {  	s18 =	simm.s32 $0x4E;
	v1 =	vld [tilespmem:s17+$0x0]  }
0x1c: {  	v2 =	vld [tilespmem:s18+$0x0]  }
0x1d: {  	s30 =	sand.u32 $0x7F0, s2;
	v3 =	vld [tilespmem:s18+$0xFFFFFFC0]  }
0x1e: {  	v4 =	vld [tilespmem:s30+$0xE00]  }
0x1f: {  	v5 =	vld [tilespmem:s18+$0xFFFFFFBE]  }
0x20: {  	v6 =	vld [tilespmem:s30+$0x1280]  }
0x21: {  	v7 =	vld [tilespmem:s18+$0xFFFFFFC2]  }
0x22: {  	v8 =	vld [tilespmem:s30+$0x1700]  }
0x23: {  	v1 =	vmul.f32 v1, v2;
	v2 =	vmul.f32 v4, v3;
	_ =	sdelay $0x1  }
0x24: {  	v1 =	vadd.f32 v2, v1;
	v2 =	vmul.f32 v6, v5;
	_ =	sdelay $0x1  }
0x25: {  	v1 =	vadd.f32 v2, v1;
	v2 =	vmul.f32 v8, v7;
	_ =	sdelay $0x1  }
0x26: {  	v1 =	vadd.f32 v2, v1;
	_ =	sdelay $0x1  }
0x27: {  	s19 =	simm.s32 $0x990;
	[tilespmem:s15+$0x0] =	vst v1  }
0x28: {  	s18 =	simm.s32 $0x5E;
	v1 =	vld [tilespmem:s19+$0x0]  }
0x29: {  	s31 =	simm.s32 $0x10;
	v2 =	vld [tilespmem:s18+$0x0]  }
0x2a: {  	s20 =	simm.s32 $0x20;
	s21 =	sand.u32 $0x7F0, s31;
	s17 =	simm.s32 $0x500;
	v3 =	vld [tilespmem:s18+$0xFFFFFFC0]  }
.LBB2_2:
0x2b: {  	p0 =	sne.s32 s20, $0x470;
	v4 =	vld [tilespmem:s21+$0xE00]  }
0x2c: {  	v5 =	vld [tilespmem:s18+$0xFFFFFFBE]  }
0x2d: {  	v6 =	vld [tilespmem:s21+$0x1280]  }
0x2e: {  	v7 =	vld [tilespmem:s18+$0xFFFFFFC2]  }
0x2f: {  	v8 =	vld [tilespmem:s21+$0x1700]  }
0x30: {  	v1 =	vmul.f32 v1, v2;
	v2 =	vmul.f32 v4, v3;
	_ =	sdelay $0x1  }
0x31: {  	v1 =	vadd.f32 v2, v1;
	v2 =	vmul.f32 v6, v5;
	_ =	sdelay $0x1  }
0x32: {  	v1 =	vadd.f32 v2, v1;
	v2 =	vmul.f32 v8, v7;
	_ =	sdelay $0x1  }
0x33: {  	v1 =	vadd.f32 v2, v1  }
.Ltmp0:
0x34: {  	s17 =	sadd.s32 $0x10, s17;
	(pc) =	sbr.rel @p0 .LBB2_2-.Ltmp0, $4  }
0x35: {  	s19 =	sadd.s32 $0x10, s19;
	[tilespmem:s17+$0x0] =	vst v1  }
0x36: {  	s18 =	sadd.s32 $0x10, s18;
	v1 =	vld [tilespmem:s19+$0x0]  }
0x37: {  	v2 =	vld [tilespmem:s18+$0x0]  }
0x38: {  	s21 =	sand.u32 $0x7F0, s20;
	s20 =	sadd.s32 $0x10, s20;
	v3 =	vld [tilespmem:s18+$0xFFFFFFC0]  }
0x39: {  	v4 =	vld [tilespmem:s21+$0xE00]  }
0x3a: {  	v5 =	vld [tilespmem:s18+$0xFFFFFFBE]  }
0x3b: {  	v6 =	vld [tilespmem:s21+$0x1280]  }
0x3c: {  	v7 =	vld [tilespmem:s18+$0xFFFFFFC2]  }
0x3d: {  	v8 =	vld [tilespmem:s21+$0x1700]  }
0x3e: {  	v1 =	vmul.f32 v1, v2;
	v2 =	vmul.f32 v4, v3;
	_ =	sdelay $0x1  }
0x3f: {  	v1 =	vadd.f32 v2, v1;
	v2 =	vmul.f32 v6, v5;
	_ =	sdelay $0x1  }
0x40: {  	v1 =	vadd.f32 v2, v1;
	v2 =	vmul.f32 v8, v7;
	_ =	sdelay $0x1  }
0x41: {  	v1 =	vadd.f32 v2, v1  }
0x42: {  	s17 =	sadd.s32 $0x10, s17  }
0x43: {  	s30 =	simm.s32 $0x0;
	[tilespmem:s17+$0x0] =	vst v1;
	s17 =	simm.s32 $0x500  }
0x44: {  	[hbm4b:s5+s30] =	stream.linear.scatter [tilespmem:s17], [sflag:$0x1], $0x480, $0x38;
	[tilespmem:$0x1B80] =	vst v63  }
0x45: {  	_ =	swait.ge [sflag:s13], $0x480  }
0x46: {  	[sflag:s13] =	ssyncset.done $0x0  }
0x47: {  	[sflag:s13] =	ssyncadd.s32 $0xFFFFFB80  }
0x48: {  	[tilespmem:s14], [sflag:$0x1] =	stream.linear.gather [hbm4b:s6+s30], $0x480, $0x38;
	[tilespmem:$0x1B80] =	vst v63  }
0x49: {  	_ =	swait.ge [sflag:s13], $0x480  }
0x4a: {  	[sflag:s13] =	ssyncset.done $0x0  }
0x4b: {  	s19 =	simm.s32 $0x980;
	[sflag:s13] =	ssyncadd.s32 $0xFFFFFB80  }
0x4c: {  	s20 =	simm.s32 $0x4E;
	v1 =	vld [tilespmem:s19+$0x0]  }
0x4d: {  	v2 =	vld [tilespmem:s20+$0x0]  }
0x4e: {  	s18 =	sand.u32 $0x7F0, s30;
	v3 =	vld [tilespmem:s20+$0xFFFFFFC0]  }
0x4f: {  	v4 =	vld [tilespmem:s18+$0xE00]  }
0x50: {  	v5 =	vld [tilespmem:s20+$0xFFFFFFBE]  }
0x51: {  	v61 =	vld [tilespmem:s18+$0x1280]  }
0x52: {  	v62 =	vld [tilespmem:s20+$0xFFFFFFC2]  }
0x53: {  	v63 =	vld [tilespmem:s18+$0x1700]  }
0x54: {  	v1 =	vmul.f32 v1, v2;
	v2 =	vmul.f32 v4, v3;
	_ =	sdelay $0x1  }
0x55: {  	v1 =	vadd.f32 v2, v1;
	v2 =	vmul.f32 v61, v5;
	_ =	sdelay $0x1  }
0x56: {  	v1 =	vadd.f32 v2, v1;
	v2 =	vmul.f32 v63, v62;
	_ =	sdelay $0x1  }
0x57: {  	v1 =	vadd.f32 v2, v1;
	_ =	sdelay $0x1  }
0x58: {  	s19 =	simm.s32 $0x990;
	[tilespmem:s17+$0x0] =	vst v1  }
0x59: {  	s18 =	simm.s32 $0x5E;
	v1 =	vld [tilespmem:s19+$0x0]  }
0x5a: {  	s31 =	simm.s32 $0x10;
	v2 =	vld [tilespmem:s18+$0x0]  }
0x5b: {  	s21 =	sand.u32 $0x7F0, s31;
	s20 =	simm.s32 $0x20;
	v3 =	vld [tilespmem:s18+$0xFFFFFFC0]  }
.LBB2_4:
0x5c: {  	p0 =	sne.s32 s20, $0x470;
	v4 =	vld [tilespmem:s21+$0xE00]  }
0x5d: {  	v5 =	vld [tilespmem:s18+$0xFFFFFFBE]  }
0x5e: {  	v6 =	vld [tilespmem:s21+$0x1280]  }
0x5f: {  	v7 =	vld [tilespmem:s18+$0xFFFFFFC2]  }
0x60: {  	v8 =	vld [tilespmem:s21+$0x1700]  }
0x61: {  	v1 =	vmul.f32 v1, v2;
	v2 =	vmul.f32 v4, v3;
	_ =	sdelay $0x1  }
0x62: {  	v1 =	vadd.f32 v2, v1;
	v2 =	vmul.f32 v6, v5;
	_ =	sdelay $0x1  }
0x63: {  	v1 =	vadd.f32 v2, v1;
	v2 =	vmul.f32 v8, v7;
	_ =	sdelay $0x1  }
0x64: {  	v1 =	vadd.f32 v2, v1  }
.Ltmp1:
0x65: {  	s17 =	sadd.s32 $0x10, s17;
	(pc) =	sbr.rel @p0 .LBB2_4-.Ltmp1, $4  }
0x66: {  	s19 =	sadd.s32 $0x10, s19;
	[tilespmem:s17+$0x0] =	vst v1  }
0x67: {  	s18 =	sadd.s32 $0x10, s18;
	v1 =	vld [tilespmem:s19+$0x0]  }
0x68: {  	v2 =	vld [tilespmem:s18+$0x0]  }
0x69: {  	s21 =	sand.u32 $0x7F0, s20;
	s20 =	sadd.s32 $0x10, s20;
	v3 =	vld [tilespmem:s18+$0xFFFFFFC0]  }
0x6a: {  	v4 =	vld [tilespmem:s21+$0xE00]  }
0x6b: {  	v5 =	vld [tilespmem:s18+$0xFFFFFFBE]  }
0x6c: {  	v6 =	vld [tilespmem:s21+$0x1280]  }
0x6d: {  	v7 =	vld [tilespmem:s18+$0xFFFFFFC2]  }
0x6e: {  	v8 =	vld [tilespmem:s21+$0x1700]  }
0x6f: {  	v1 =	vmul.f32 v1, v2;
	v2 =	vmul.f32 v4, v3;
	_ =	sdelay $0x1  }
0x70: {  	v1 =	vadd.f32 v2, v1;
	v2 =	vmul.f32 v6, v5;
	_ =	sdelay $0x1  }
0x71: {  	v1 =	vadd.f32 v2, v1;
	v2 =	vmul.f32 v8, v7;
	_ =	sdelay $0x1  }
0x72: {  	v1 =	vadd.f32 v2, v1  }
0x73: {  	s17 =	sadd.s32 $0x10, s17  }
0x74: {  	s30 =	simm.s32 $0x0;
	[tilespmem:s17+$0x0] =	vst v1;
	s17 =	simm.s32 $0x500  }
0x75: {  	[hbm4b:s7+s30] =	stream.linear.scatter [tilespmem:s17], [sflag:$0x1], $0x480, $0x38;
	[tilespmem:$0x1B80] =	vst v63  }
0x76: {  	_ =	swait.ge [sflag:s13], $0x480  }
0x77: {  	[sflag:s13] =	ssyncset.done $0x0  }
0x78: {  	[sflag:s13] =	ssyncadd.s32 $0xFFFFFB80  }
0x79: {  	[tilespmem:s14], [sflag:$0x1] =	stream.linear.gather [hbm4b:s8+s30], $0x480, $0x38;
	[tilespmem:$0x1B80] =	vst v63  }
0x7a: {  	_ =	swait.ge [sflag:s13], $0x480  }
0x7b: {  	[sflag:s13] =	ssyncset.done $0x0  }
0x7c: {  	s19 =	simm.s32 $0x980;
	[sflag:s13] =	ssyncadd.s32 $0xFFFFFB80  }
0x7d: {  	s20 =	simm.s32 $0x4E;
	v1 =	vld [tilespmem:s19+$0x0]  }
0x7e: {  	v2 =	vld [tilespmem:s20+$0x0]  }
0x7f: {  	s18 =	sand.u32 $0x7F0, s30;
	v3 =	vld [tilespmem:s20+$0xFFFFFFC0]  }
0x80: {  	v4 =	vld [tilespmem:s18+$0xE00]  }
0x81: {  	v5 =	vld [tilespmem:s20+$0xFFFFFFBE]  }
0x82: {  	v61 =	vld [tilespmem:s18+$0x1280]  }
0x83: {  	v62 =	vld [tilespmem:s20+$0xFFFFFFC2]  }
0x84: {  	v63 =	vld [tilespmem:s18+$0x1700]  }
0x85: {  	v1 =	vmul.f32 v1, v2;
	v2 =	vmul.f32 v4, v3;
	_ =	sdelay $0x1  }
0x86: {  	v1 =	vadd.f32 v2, v1;
	v2 =	vmul.f32 v61, v5;
	_ =	sdelay $0x1  }
0x87: {  	v1 =	vadd.f32 v2, v1;
	v2 =	vmul.f32 v63, v62;
	_ =	sdelay $0x1  }
0x88: {  	v1 =	vadd.f32 v2, v1;
	_ =	sdelay $0x1  }
0x89: {  	s19 =	simm.s32 $0x990;
	[tilespmem:s17+$0x0] =	vst v1  }
0x8a: {  	s18 =	simm.s32 $0x5E;
	v1 =	vld [tilespmem:s19+$0x0]  }
0x8b: {  	s31 =	simm.s32 $0x10;
	v2 =	vld [tilespmem:s18+$0x0]  }
0x8c: {  	s21 =	sand.u32 $0x7F0, s31;
	s20 =	simm.s32 $0x20;
	v3 =	vld [tilespmem:s18+$0xFFFFFFC0]  }
.LBB2_6:
0x8d: {  	p0 =	sne.s32 s20, $0x470;
	v4 =	vld [tilespmem:s21+$0xE00]  }
0x8e: {  	v5 =	vld [tilespmem:s18+$0xFFFFFFBE]  }
0x8f: {  	v6 =	vld [tilespmem:s21+$0x1280]  }
0x90: {  	v7 =	vld [tilespmem:s18+$0xFFFFFFC2]  }
0x91: {  	v8 =	vld [tilespmem:s21+$0x1700]  }
0x92: {  	v1 =	vmul.f32 v1, v2;
	v2 =	vmul.f32 v4, v3;
	_ =	sdelay $0x1  }
0x93: {  	v1 =	vadd.f32 v2, v1;
	v2 =	vmul.f32 v6, v5;
	_ =	sdelay $0x1  }
0x94: {  	v1 =	vadd.f32 v2, v1;
	v2 =	vmul.f32 v8, v7;
	_ =	sdelay $0x1  }
0x95: {  	v1 =	vadd.f32 v2, v1  }
.Ltmp2:
0x96: {  	s17 =	sadd.s32 $0x10, s17;
	(pc) =	sbr.rel @p0 .LBB2_6-.Ltmp2, $4  }
0x97: {  	s19 =	sadd.s32 $0x10, s19;
	[tilespmem:s17+$0x0] =	vst v1  }
0x98: {  	s18 =	sadd.s32 $0x10, s18;
	v1 =	vld [tilespmem:s19+$0x0]  }
0x99: {  	v2 =	vld [tilespmem:s18+$0x0]  }
0x9a: {  	s21 =	sand.u32 $0x7F0, s20;
	s20 =	sadd.s32 $0x10, s20;
	v3 =	vld [tilespmem:s18+$0xFFFFFFC0]  }
0x9b: {  	v4 =	vld [tilespmem:s21+$0xE00]  }
0x9c: {  	v5 =	vld [tilespmem:s18+$0xFFFFFFBE]  }
0x9d: {  	v6 =	vld [tilespmem:s21+$0x1280]  }
0x9e: {  	v7 =	vld [tilespmem:s18+$0xFFFFFFC2]  }
0x9f: {  	v8 =	vld [tilespmem:s21+$0x1700]  }
0xa0: {  	v1 =	vmul.f32 v1, v2;
	v2 =	vmul.f32 v4, v3;
	_ =	sdelay $0x1  }
0xa1: {  	v1 =	vadd.f32 v2, v1;
	v2 =	vmul.f32 v6, v5;
	_ =	sdelay $0x1  }
0xa2: {  	v1 =	vadd.f32 v2, v1;
	v2 =	vmul.f32 v8, v7;
	_ =	sdelay $0x1  }
0xa3: {  	v1 =	vadd.f32 v2, v1  }
0xa4: {  	s17 =	sadd.s32 $0x10, s17  }
0xa5: {  	s30 =	simm.s32 $0x0;
	[tilespmem:s17+$0x0] =	vst v1;
	s17 =	simm.s32 $0x500  }
0xa6: {  	[hbm4b:s9+s30] =	stream.linear.scatter [tilespmem:s17], [sflag:$0x1], $0x480, $0x38;
	[tilespmem:$0x1B80] =	vst v63  }
0xa7: {  	_ =	swait.ge [sflag:s13], $0x480  }
0xa8: {  	[sflag:s13] =	ssyncset.done $0x0  }
0xa9: {  	[sflag:s13] =	ssyncadd.s32 $0xFFFFFB80  }
0xaa: {  	[tilespmem:s14], [sflag:$0x1] =	stream.linear.gather [hbm4b:s10+s30], $0x480, $0x38;
	[tilespmem:$0x1B80] =	vst v63  }
0xab: {  	_ =	swait.ge [sflag:s13], $0x480  }
0xac: {  	[sflag:s13] =	ssyncset.done $0x0  }
0xad: {  	s19 =	simm.s32 $0x980;
	[sflag:s13] =	ssyncadd.s32 $0xFFFFFB80  }
0xae: {  	s20 =	simm.s32 $0x4E;
	v1 =	vld [tilespmem:s19+$0x0]  }
0xaf: {  	v2 =	vld [tilespmem:s20+$0x0]  }
0xb0: {  	s18 =	sand.u32 $0x7F0, s30;
	v3 =	vld [tilespmem:s20+$0xFFFFFFC0]  }
0xb1: {  	v4 =	vld [tilespmem:s18+$0xE00]  }
0xb2: {  	v5 =	vld [tilespmem:s20+$0xFFFFFFBE]  }
0xb3: {  	v61 =	vld [tilespmem:s18+$0x1280]  }
0xb4: {  	v62 =	vld [tilespmem:s20+$0xFFFFFFC2]  }
0xb5: {  	v63 =	vld [tilespmem:s18+$0x1700]  }
0xb6: {  	v1 =	vmul.f32 v1, v2;
	v2 =	vmul.f32 v4, v3;
	_ =	sdelay $0x1  }
0xb7: {  	v1 =	vadd.f32 v2, v1;
	v2 =	vmul.f32 v61, v5;
	_ =	sdelay $0x1  }
0xb8: {  	v1 =	vadd.f32 v2, v1;
	v2 =	vmul.f32 v63, v62;
	_ =	sdelay $0x1  }
0xb9: {  	v1 =	vadd.f32 v2, v1;
	_ =	sdelay $0x1  }
0xba: {  	s19 =	simm.s32 $0x990;
	[tilespmem:s17+$0x0] =	vst v1  }
0xbb: {  	s18 =	simm.s32 $0x5E;
	v1 =	vld [tilespmem:s19+$0x0]  }
0xbc: {  	s31 =	simm.s32 $0x10;
	v2 =	vld [tilespmem:s18+$0x0]  }
0xbd: {  	s21 =	sand.u32 $0x7F0, s31;
	s20 =	simm.s32 $0x20;
	v3 =	vld [tilespmem:s18+$0xFFFFFFC0]  }
.LBB2_8:
0xbe: {  	p0 =	sne.s32 s20, $0x470;
	v4 =	vld [tilespmem:s21+$0xE00]  }
0xbf: {  	v5 =	vld [tilespmem:s18+$0xFFFFFFBE]  }
0xc0: {  	v6 =	vld [tilespmem:s21+$0x1280]  }
0xc1: {  	v7 =	vld [tilespmem:s18+$0xFFFFFFC2]  }
0xc2: {  	v8 =	vld [tilespmem:s21+$0x1700]  }
0xc3: {  	v1 =	vmul.f32 v1, v2;
	v2 =	vmul.f32 v4, v3;
	_ =	sdelay $0x1  }
0xc4: {  	v1 =	vadd.f32 v2, v1;
	v2 =	vmul.f32 v6, v5;
	_ =	sdelay $0x1  }
0xc5: {  	v1 =	vadd.f32 v2, v1;
	v2 =	vmul.f32 v8, v7;
	_ =	sdelay $0x1  }
0xc6: {  	v1 =	vadd.f32 v2, v1  }
.Ltmp3:
0xc7: {  	s17 =	sadd.s32 $0x10, s17;
	(pc) =	sbr.rel @p0 .LBB2_8-.Ltmp3, $4  }
0xc8: {  	s19 =	sadd.s32 $0x10, s19;
	[tilespmem:s17+$0x0] =	vst v1  }
0xc9: {  	s18 =	sadd.s32 $0x10, s18;
	v1 =	vld [tilespmem:s19+$0x0]  }
0xca: {  	v2 =	vld [tilespmem:s18+$0x0]  }
0xcb: {  	s21 =	sand.u32 $0x7F0, s20;
	s20 =	sadd.s32 $0x10, s20;
	v3 =	vld [tilespmem:s18+$0xFFFFFFC0]  }
0xcc: {  	v4 =	vld [tilespmem:s21+$0xE00]  }
0xcd: {  	v5 =	vld [tilespmem:s18+$0xFFFFFFBE]  }
0xce: {  	v6 =	vld [tilespmem:s21+$0x1280]  }
0xcf: {  	v7 =	vld [tilespmem:s18+$0xFFFFFFC2]  }
0xd0: {  	v8 =	vld [tilespmem:s21+$0x1700]  }
0xd1: {  	v1 =	vmul.f32 v1, v2;
	v2 =	vmul.f32 v4, v3;
	_ =	sdelay $0x1  }
0xd2: {  	v1 =	vadd.f32 v2, v1;
	v2 =	vmul.f32 v6, v5;
	_ =	sdelay $0x1  }
0xd3: {  	v1 =	vadd.f32 v2, v1;
	v2 =	vmul.f32 v8, v7;
	_ =	sdelay $0x1  }
0xd4: {  	s16 =	sadd.s32 $0x1, s16;
	v1 =	vadd.f32 v2, v1  }
0xd5: {  	s17 =	sadd.s32 $0x10, s17;
	p0 =	sne.s32 s16, s12  }
.Ltmp4:
0xd6: {  	[tilespmem:s17+$0x0] =	vst v1;
	(pc) =	sbr.rel @p0 .LBB2_1-.Ltmp4, $4  }
0xd7: {  	[hbm4b:s11+s2] =	stream.linear.scatter [tilespmem:s15], [sflag:$0x1], $0x480, $0x38;
	[tilespmem:$0x1B80] =	vst v63  }
0xd8: {  	_ =	swait.ge [sflag:s13], $0x480  }
0xd9: {  	[sflag:s13] =	ssyncset.done $0x0  }
0xda: {  	[sflag:s13] =	ssyncadd.s32 $0xFFFFFB80  }
0xdb: {  	_ =	sfence.sel $0x180000  }
0xdc: {  	[bflag:$0x0] =	sbarrier.arrive $0xFFFF  }
0xdd: {  	p0 =	sne.s32 s0, $0x0;
	_ =	strace $0x90000047  }
0xde: {  	s0 =	sadd.s32 @!p0 $0x100000, s1;
	[bflag:$0x2] =	sbarrier.arrive $0xFFFF  }
0xdf: {  	[sflag:s0] =	ssyncadd.tile.s32 @!p0 $0x1;
	_ =	shalt  }
.Lfunc_end2:
_tile_overlayer_lowered:
.L_overlay_start_2:
0xe0: {  	(tag) =	ssettag $0x2  }
0xe1: {  	s0 =	rddreg [dreg:$0x0];
	s2 =	stileid.u32  }
0xe2: {  	s1 =	rddreg [dreg:$0x1];
	p0 =	sne.s32 s2, $0x0  }
0xe3: {  	s3 =	rddreg [dreg:$0x2];
	[bflag:$0x3] =	sbarrier.arrive $0xFFFF;
	s2 =	simm.s32 @!p0 $0x1C01  }
0xe4: {  	[timem:s3], [sflag:s2] =	dma.local @!p0 [hbm:s0], s1  }
0xe5: {  	s0 =	simm.s32 @!p0 $0x1  }
0xe6: {  	_ =	swait.ge @!p0 [sflag:s0], s1  }
0xe7: {  	s1 =	ssub.s32 @!p0 $0x0, s1;
	[sflag:s0] =	ssyncset.done @!p0 $0x0  }
0xe8: {  	[sflag:s0] =	ssyncadd.s32 @!p0 s1  }
0xe9: {  	[bflag:$0x3] =	sbarrier.arrive $0xFFFF  }
0xea: {  	_ =	shalt  }

// kernel: sparse-core-data-format-call.1.cloned.1.call-start
scs
called_computation.1_lowered:
.L_overlay_start_0:
0x0: {  	s2 =	sld [smem:$0x3FD9]  }
0x1: {  	s3 =	sld [smem:$0x3FFE];
	_ =	sdelay $0x1  }
0x2: {  	s1 =	srdreg.scid  }
0x3: {  	s0 =	sand.u32 $0x1, s1  }
0x4: {  	s18 =	sshll.u32 s0, $0xA;
	s2 =	sadd.s32 s3, s2  }
0x5: {  	s2 =	sadd.s32 s2, s18  }
0x6: {  	[smem:$0x3FC4] =	sst s2  }
0x7: {  	_ = 	snop  }
0x8: {  	s19 =	sld [smem:$0x3FC9];
	(tm) =	ssettm $0x1  }
0x9: {  	s20 =	sld [smem:$0x3FFB];
	_ =	sdelay $0x3  }
0xa: {  	_ =	strace s20  }
0xb: {  	s2 =	sld [smem:$0x3FFC];
	_ =	sdelay $0x3  }
0xc: {  	_ =	strace s2  }
0xd: {  	s2 =	sld [smem:$0x3FFD];
	_ =	sdelay $0x3  }
0xe: {  	_ =	strace s2  }
0xf: {  	_ =	strace $0x8FFFFFFF  }
0x10: {  	s21 =	sld [smem:$0x3FDB];
	_ =	sdelay $0x1  }
0x11: {  	s4 =	simm.s32 $_scs_section_size  }
0x12: {  	s5 =	simm.s32 $_size__tile_overlayer_lowered;
	s6 =	simm.s32 $_tile_overlayer_lowered  }
0x13: {  	s7 =	simm.s32 $0x1BFF;
	s22 =	sshll.u32 s6, $0x1;
	s4 =	sadd.s32 s4, s21  }
0x14: {  	s23 =	simm.s32 $0x0;
	s5 =	sshll.u32 s5, $0x1;
	s6 =	sadd.s32 s22, s4  }
0x15: {  	[timem:s23], [sflag:s7] =	dma.local [hbm:s6], s5  }
0x16: {  	_ =	swait.ge [sflag:s7], s5  }
0x17: {  	s5 =	ssub.s32 $0x0, s5;
	[sflag:s7] =	ssyncset.done $0x0  }
0x18: {  	[sflag:s7] =	ssyncadd.s32 s5;
	_ =	sdelay $0x1  }
0x19: {  	s24 =	simm.s32 $0x1B8B  }
0x1a: {  	_ =	swait.ge [sflag:s24], $0x1  }
0x1b: {  	[sflag:s24] =	ssyncset.done $0x0  }
0x1c: {  	[sflag:s24] =	ssyncadd.s32 $0xFFFFFFFF  }
0x1d: {  	s5 =	sld [smem:$0x0]  }
0x1e: {  	s6 =	sand.u32 $0xFFFFFFFE, s1  }
0x1f: {  	p0 =	sne.s32 s1, s6  }
0x20: {  	s6 =	sshll.u32 @p0 s6, $0xE  }
0x21: {  	s6 =	sadd.s32 @p0 $0x11B8D, s6;
	s7 =	sshll.u32 @p0 s5, $0x11  }
0x22: {  	s6 =	sor.u32 @p0 s7, s6  }
0x23: {  	[sflag:s6] =	ssyncadd.remote.s32 @p0 $0x1;
	_ =	sdelay $0x1  }
0x24: {  	s6 =	simm.s32 @p0 $0x1B8D  }
0x25: {  	_ =	swait.eq @p0 [sflag:s6], $0x1  }
0x26: {  	[sflag:s6] =	ssyncadd.s32 @p0 $0xFFFFFFFF  }
0x27: {  	s7 =	sshll.u32 @!p0 s1, $0xE  }
0x28: {  	s7 =	sor.u32 @!p0 $0x4000, s7;
	s6 =	simm.s32 @!p0 $0x1B8D  }
0x29: {  	s5 =	sshll.u32 @!p0 s5, $0x11;
	s7 =	sadd.s32 @!p0 $0x11B8D, s7;
	_ =	swait.eq @!p0 [sflag:s6], $0x1  }
0x2a: {  	s5 =	sor.u32 @!p0 s5, s7;
	[sflag:s6] =	ssyncadd.s32 @!p0 $0xFFFFFFFF  }
0x2b: {  	s26 =	simm.s32 $0x1B8E;
	s25 =	sld [smem:$0x3FFE];
	[sflag:s5] =	ssyncadd.remote.s32 @!p0 $0x1  }
0x2c: {  	s27 =	simm.s32 $execute0_lowered;
	[smem:$0x3FD2] =	sst s26  }
0x2d: {  	s6 =	sshll.u32 s27, $0x1;
	_ =	strace $0x80000049;
	[dreg:$0x1] =	wrdreg $0xFFFFFFFF  }
0x2e: {  	s28 =	simm.s32 $_size_execute0_lowered;
	s4 =	sadd.s32 s4, s6;
	[dreg:$0x0] =	wrdreg $0x0  }
0x2f: {  	s6 =	sshll.u32 s28, $0x1;
	[dreg:$0x2] =	wrdreg s4  }
0x30: {  	[dreg:$0x3] =	wrdreg s6  }
0x31: {  	[dreg:$0x4] =	wrdreg $0xC0  }
0x32: {  	_ =	task [dreg:s23], $0x5FFFF  }
0x33: {  	[dreg:$0x1] =	wrdreg $0xFFFFFFFF  }
0x34: {  	[dreg:$0x0] =	wrdreg $0x60  }
0x35: {  	[dreg:$0x2] =	wrdreg s19  }
0x36: {  	[dreg:$0x3] =	wrdreg s25  }
0x37: {  	[dreg:$0x4] =	wrdreg $0x9  }
0x38: {  	_ =	task.clear_ibuf [dreg:s23], $0x5FFFF;
	_ =	strace $0x90000049  }
0x39: {  	s29 =	simm.s32 $0x9;
	_ =	strace $0x8000004B  }
0x3a: {  	_ =	swait.ge [sflag:s29], $0x1  }
0x3b: {  	[sflag:s29] =	ssyncadd.s32 $0xFFFFFFFF  }
0x3c: {  	_ =	strace $0x9000004B  }
0x3d: {  	_ =	sfence  }
0x3e: {  	s30 =	sld [smem:$0x0];
	_ =	sdelay $0x2  }
0x3f: {  	s31 =	sshll.u32 s1, $0xD;
	s1 =	sshrl.u32 s1, $0x2  }
0x40: {  	s4 =	sand.u32 $0x4000, s31;
	s1 =	sadd.s32 s1, s30  }
0x41: {  	s0 =	sor.u32 s4, s0;
	s1 =	sshll.u32 s1, $0x11  }
0x42: {  	s0 =	sor.u32 s1, s0  }
0x43: {  	s0 =	sadd.s32 $0x8F2B, s0  }
0x44: {  	[sflag:s0] =	ssyncadd.remote.s32 $0x1  }
0x45: {  	_ =	sfence.sel $0xFFFF  }
0x46: {  	[dreg:$0x0] =	wrdreg $0xFFFFFFFF;
	(pc) =	sbr.abs _section_cstart, $3  }
0x47: {  	[dreg:$0x1] =	wrdreg $0xFFFFFFFF  }
0x48: {  	_ =	task.clear_ibuf [dreg:s23], $0x2FFFF;
	_ =	strace $0x9FFFFFFF  }
0x49: {  	(tm) =	ssettm $0x7FFFFFFF  }
tec
execute0_lowered:
.L_overlay_start_1:
0x0: {  	(tag) =	ssettag $0x1  }
0x1: {  	s0 =	srdreg.scid;
	s2 =	rddreg [dreg:$0x0]  }
0x2: {  	s5 =	rddreg [dreg:$0x1];
	s1 =	stileid.u32;
	s4 =	simm.s32 $0x1  }
0x3: {  	s6 =	simm.s32 $0x2;
	s13 =	simm.s32 $0x0;
	s0 =	sshll.u32 s0, $0x4  }
0x4: {  	s8 =	simm.s32 $0x100;
	s9 =	simm.s32 $0x22400;
	s3 =	sand.u32 $0x10, s0  }
.Ltmp0:
0x5: {  	s10 =	simm.s32 $0x0;
	s3 =	sor.u32 s1, s3;
	(pc) =	sbr.rel .LBB1_1-.Ltmp0, $4  }
0x6: {  	s0 =	rddreg [dreg:$0x2];
	_ =	strace $0x8000004A;
	s3 =	sshll.u32 s3, $0x1  }
0x7: {  	s12 =	simm.s32 $0x0;
	[sflag:s4] =	ssyncpa.u1 $0x0;
	s7 =	ssub.s32 $0x440, s3  }
0x8: {  	s20 =	simm.s32 $0x0;
	[sflag:s6] =	ssyncpa.u1 $0x0;
	s6 =	sshrl.u32 s7, $0x6  }
0x9: {  	s5 =	sadd.s32 $0x5600, s5;
	s11 =	smov.u32 s3;
	s7 =	sor.u32 $0x2, s6  }
.LBB1_7:
0xa: {  	s15 =	sadd.s32 $0x40, s11  }
0xb: {  	p1 =	sgt.s32 s15, $0x440  }
0xc: {  	s15 =	smov.u32 @p1 s3;
	p1 =	sne.s32 s12, s7  }
.Ltmp1:
0xd: {  	p0 =	slt.u32 s12, $0x2;
	(pc) =	sbr.rel @!p1 .LBB1_8-.Ltmp1, $4  }
0xe: {  	s14 =	simm.s32 @!p0 $0x2  }
0xf: {  	s16 =	sadd.s32 $0x1, s12;
	_ =	swait.ge @!p0 [sflag:s14], $0x4000  }
0x10: {  	s13 =	smov.u32 s11;
	s10 =	sadd.s32 $0x4000, s10;
	[sflag:s14] =	ssyncset.done @!p0 $0x0  }
0x11: {  	s12 =	smov.u32 s16;
	s11 =	smov.u32 s15;
	[sflag:s14] =	ssyncadd.s32 @!p0 $0xFFFFC000  }
.LBB1_1:
0x12: {  	p0 =	sgt.u32 s12, s6  }
0x13: {  	p1 =	sgt.s32 @!p0 s11, $0x43F  }
0x14: {  	s14 =	smov.u32 s11;
	s15 =	sshra.s32 @!p0 s11, $0x1F;
	p1 =	por !p1, p0  }
0x15: {  	s15 =	sand.u32 @!p0 s15, s11;
	s14 =	simm.s32 @p1 $0x43F  }
0x16: {  	s14 =	ssub.s32 @!p0 s14, s15  }
0x17: {  	s14 =	sadd.s32 @!p0 $0xFFFFFBC1, s14  }
0x18: {  	s17 =	simm.s32 @!p0 $0x0;
	s15 =	sxor.u32 @!p0 $0xFFFFFFFF, s12;
	s16 =	sshll.u32 @!p0 s14, $0xF  }
0x19: {  	s15 =	sshll.u32 @!p0 s15, $0xE;
	p1 =	sgt.s32 @!p0 s14, $0x1;
	s14 =	ssub.s32 @!p0 $0x10000, s16  }
0x1a: {  	p1 =	por !p1, p0;
	s16 =	sshll.u32 @!p0 s11, $0xA;
	s14 =	sshrl.u32 @!p0 s14, $0x2  }
0x1b: {  	s15 =	sand.u32 @!p0 $0x4000, s15;
	s16 =	sadd.s32 @!p0 s2, s16;
	s14 =	simm.s32 @!p1 $0x0  }
0x1c: {  	[tilespmem:s15], [sflag:$0x1] =	stream.linear.gather @!p0 [hbm4b:s16+s17], s14, $0x38;
	[tilespmem:$0x10000] =	vst v63  }
0x1d: {  	p0 =	seq.s32 s12, $0x0  }
0x1e: {  	p1 =	sge.u32 @!p0 s12, s7  }
0x1f: {  	p0 =	por p0, p1  }
.Ltmp2:
0x20: {  	_ = 	snop;
	(pc) =	sbr.rel @p0 .LBB1_7-.Ltmp2, $1  }
0x21: {  	_ =	sdelay $0x3  }
0x22: {  	p0 =	sgt.s32 s13, $0x43F;
	s14 =	smov.u32 s13;
	s15 =	sshra.s32 s13, $0x1F  }
0x23: {  	s14 =	simm.s32 @!p0 $0x43F;
	s15 =	sand.u32 s15, s13  }
0x24: {  	s14 =	ssub.s32 s14, s15  }
0x25: {  	s14 =	sadd.s32 $0xFFFFFBC1, s14  }
0x26: {  	s28 =	sshll.u32 s14, $0xF  }
0x27: {  	s16 =	sshll.u32 s10, $0x2;
	s31 =	sshll.u32 s12, $0xE;
	s15 =	ssub.s32 $0x10000, s28  }
0x28: {  	s29 =	sand.u32 $0x10000, s16;
	p0 =	sgt.s32 s14, $0x1;
	s14 =	sshrl.u32 s15, $0x2  }
0x29: {  	p1 =	por $0x1, $0x1;
	s17 =	sshrl.u32 s29, $0x2;
	s14 =	simm.s32 @p0 $0x0  }
0x2a: {  	s16 =	sadd.s32 $0x40, s17;
	s15 =	sadd.s32 $0x8040, s17;
	_ =	swait.ge [sflag:s4], s14  }
0x2b: {  	s30 =	ssub.s32 $0x0, s14;
	s14 =	sand.u32 $0x4000, s31;
	[sflag:s4] =	ssyncset.done $0x0  }
0x2c: {  	s17 =	simm.s32 $0x0;
	s14 =	sor.u32 $0x8000, s14;
	[sflag:s4] =	ssyncadd.s32 s30  }
.LBB1_3:
0x2d: {  	s18 =	sshll.u32 s17, $0xD  }
0x2e: {  	s18 =	sand.u32 $0x3FFFE000, s18  }
0x2f: {  	s18 =	sadd.s32 s18, s16  }
0x30: {  	v0 =	vmov s18;
	_ =	sdelay $0x4  }
0x31: {  	v6 =	vld.idx.msk [tilespmem:v0+s20+$0x30 ss:$0x1], $0xffff  }
0x32: {  	v7 =	vld.idx.msk [tilespmem:v0+s20+$0xFFFFFFC0 ss:$0x1], $0xffff  }
0x33: {  	v1 =	vld.idx.msk [tilespmem:v0+s20+$0xFFFFFFD0 ss:$0x1], $0xffff  }
0x34: {  	s31 =	sshll.u32 s17, $0x7;
	v2 =	vld.idx.msk [tilespmem:v0+s20+$0xFFFFFFE0 ss:$0x1], $0xffff  }
0x35: {  	s17 =	sand.u32 $0x3FFFFF80, s31;
	v3 =	vld.idx.msk [tilespmem:v0+s20+$0xFFFFFFF0 ss:$0x1], $0xffff  }
0x36: {  	s17 =	sadd.s32 s17, s15;
	v4 =	vld.idx.msk [tilespmem:v0+s20+$0x0 ss:$0x1], $0xffff  }
0x37: {  	v5 =	vld.idx.msk [tilespmem:v0+s20+$0x10 ss:$0x1], $0xffff;
	[tilespmem:s17+$0x30] =	vst v6  }
0x38: {  	p0 =	por p1, p1;
	s19 =	simm.s32 $0x400;
	s18 =	simm.s32 $0x80;
	[tilespmem:s17+$0xFFFFFFC0] =	vst v7;
	v6 =	vld.idx.msk [tilespmem:v0+s20+$0x20 ss:$0x1], $0xffff  }
.LBB1_4:
0x39: {  	p1 =	sne.s32 s19, $0x7E00;
	v7 =	vld.idx.msk [tilespmem:v0+s18+$0x30 ss:$0x1], $0xffff;
	[tilespmem:s17+$0xFFFFFFD0] =	vst v1  }
0x3a: {  	v8 =	vld.idx.msk [tilespmem:v0+s18+$0xFFFFFFC0 ss:$0x1], $0xffff;
	[tilespmem:s17+$0xFFFFFFE0] =	vst v2  }
0x3b: {  	v1 =	vld.idx.msk [tilespmem:v0+s18+$0xFFFFFFD0 ss:$0x1], $0xffff;
	[tilespmem:s17+$0xFFFFFFF0] =	vst v3  }
.Ltmp3:
0x3c: {  	v2 =	vld.idx.msk [tilespmem:v0+s18+$0xFFFFFFE0 ss:$0x1], $0xffff;
	[tilespmem:s17+$0x0] =	vst v4;
	(pc) =	sbr.rel @p1 .LBB1_4-.Ltmp3, $4  }
0x3d: {  	v3 =	vld.idx.msk [tilespmem:v0+s18+$0xFFFFFFF0 ss:$0x1], $0xffff;
	[tilespmem:s17+$0x10] =	vst v5  }
0x3e: {  	v4 =	vld.idx.msk [tilespmem:v0+s18+$0x0 ss:$0x1], $0xffff;
	[tilespmem:s17+$0x20] =	vst v6;
	s17 =	sadd.s32 $0x100, s17  }
0x3f: {  	v5 =	vld.idx.msk [tilespmem:v0+s18+$0x10 ss:$0x1], $0xffff;
	[tilespmem:s17+$0x30] =	vst v7  }
0x40: {  	[tilespmem:s17+$0xFFFFFFC0] =	vst v8;
	v6 =	vld.idx.msk [tilespmem:v0+s18+$0x20 ss:$0x1], $0xffff;
	s18 =	sshra.s32 s19, $0x2;
	s19 =	sadd.s32 $0x200, s19  }
0x41: {  	_ =	sdelay $0x2  }
0x42: {  	[tilespmem:s17+$0xFFFFFFD0] =	vst v1  }
0x43: {  	v56 =	vld.idx.msk [tilespmem:v0+s18+$0x30 ss:$0x1], $0xffff;
	[tilespmem:s17+$0xFFFFFFE0] =	vst v2  }
0x44: {  	v57 =	vld.idx.msk [tilespmem:v0+s18+$0xFFFFFFC0 ss:$0x1], $0xffff;
	[tilespmem:s17+$0xFFFFFFF0] =	vst v3  }
0x45: {  	v58 =	vld.idx.msk [tilespmem:v0+s18+$0xFFFFFFD0 ss:$0x1], $0xffff;
	[tilespmem:s17+$0x0] =	vst v4  }
0x46: {  	v59 =	vld.idx.msk [tilespmem:v0+s18+$0xFFFFFFE0 ss:$0x1], $0xffff;
	[tilespmem:s17+$0x10] =	vst v5  }
0x47: {  	v60 =	vld.idx.msk [tilespmem:v0+s18+$0xFFFFFFF0 ss:$0x1], $0xffff;
	s31 =	sadd.s32 $0x100, s17;
	[tilespmem:s17+$0x20] =	vst v6  }
0x48: {  	v61 =	vld.idx.msk [tilespmem:v0+s18+$0x0 ss:$0x1], $0xffff;
	[tilespmem:s31+$0x30] =	vst v56  }
0x49: {  	v62 =	vld.idx.msk [tilespmem:v0+s18+$0x10 ss:$0x1], $0xffff;
	[tilespmem:s31+$0xFFFFFFC0] =	vst v57  }
0x4a: {  	v63 =	vld.idx.msk [tilespmem:v0+s18+$0x20 ss:$0x1], $0xffff;
	[tilespmem:s31+$0xFFFFFFD0] =	vst v58  }
.Ltmp4:
0x4b: {  	[tilespmem:s31+$0xFFFFFFE0] =	vst v59;
	(pc) =	sbr.rel @p0 .LBB1_3-.Ltmp4, $4  }
0x4c: {  	[tilespmem:s31+$0xFFFFFFF0] =	vst v60  }
0x4d: {  	[tilespmem:s31+$0x0] =	vst v61  }
0x4e: {  	[tilespmem:s31+$0x10] =	vst v62  }
0x4f: {  	p1 =	por $0x0, $0x0;
	s17 =	simm.s32 $0x1;
	[tilespmem:s31+$0x20] =	vst v63  }
0x50: {  	s13 =	sand.u32 $0x1FFFFFF, s13  }
0x51: {  	s15 =	smulhi.u32 $0x1DE5D6F, s13;
	_ =	sdelay $0x1  }
0x52: {  	s15 =	sshrl.u32 s15, $0x3  }
0x53: {  	s15 =	smul.u32 $0x448, s15  }
.Ltmp5:
0x54: {  	_ = 	snop;
	(pc) =	sbr.rel .LBB1_7-.Ltmp5, $4  }
0x55: {  	s13 =	ssub.s32 s13, s15  }
0x56: {  	s13 =	sshll.u32 s13, $0x4  }
0x57: {  	s13 =	sadd.s32 s5, s13  }
0x58: {  	[hbm4b:s13+s8] =	stream.strided.scatter [tilespmem:s14], [sflag:$0x2], $0x4000, s9, s8, $0x38;
	[tilespmem:$0x10000] =	vst v63  }
.LBB1_8:
0x59: {  	_ =	sfence.sel $0x180000  }
0x5a: {  	s2 =	simm.s32 $0x1;
	[bflag:$0x0] =	sbarrier.arrive $0xFFFF  }
0x5b: {  	s31 =	simm.s32 $0x2;
	[sflag:s2] =	ssyncpa.u1 $0x1  }
0x5c: {  	[sflag:s31] =	ssyncpa.u1 $0x1  }
0x5d: {  	p0 =	sne.s32 s1, $0x0;
	_ =	strace $0x9000004A  }
0x5e: {  	s0 =	sadd.s32 @!p0 $0x100000, s0;
	[bflag:$0x2] =	sbarrier.arrive $0xFFFF  }
0x5f: {  	[sflag:s0] =	ssyncadd.tile.s32 @!p0 $0x1;
	_ =	shalt  }
.Lfunc_end1:
_tile_overlayer_lowered:
.L_overlay_start_2:
0x60: {  	(tag) =	ssettag $0x2  }
0x61: {  	s0 =	rddreg [dreg:$0x0];
	s2 =	stileid.u32  }
0x62: {  	s1 =	rddreg [dreg:$0x1];
	p0 =	sne.s32 s2, $0x0  }
0x63: {  	s3 =	rddreg [dreg:$0x2];
	[bflag:$0x3] =	sbarrier.arrive $0xFFFF;
	s2 =	simm.s32 @!p0 $0x1C01  }
0x64: {  	[timem:s3], [sflag:s2] =	dma.local @!p0 [hbm:s0], s1  }
0x65: {  	s0 =	simm.s32 @!p0 $0x1  }
0x66: {  	_ =	swait.ge @!p0 [sflag:s0], s1  }
0x67: {  	s1 =	ssub.s32 @!p0 $0x0, s1;
	[sflag:s0] =	ssyncset.done @!p0 $0x0  }
0x68: {  	[sflag:s0] =	ssyncadd.s32 @!p0 s1  }
0x69: {  	[bflag:$0x3] =	sbarrier.arrive $0xFFFF  }
0x6a: {  	_ =	shalt  }

// kernel: sparse-core-data-format-call.cloned.1.call-start
scs
called_computation_lowered:
.L_overlay_start_0:
0x0: {  	s1 =	sld [smem:$0x3FD9]  }
0x1: {  	s2 =	sld [smem:$0x3FFE];
	_ =	sdelay $0x1  }
0x2: {  	s3 =	srdreg.scid  }
0x3: {  	s0 =	sand.u32 $0x1, s3  }
0x4: {  	s17 =	sshll.u32 s0, $0xA;
	s1 =	sadd.s32 s2, s1  }
0x5: {  	s1 =	sadd.s32 s1, s17  }
0x6: {  	[smem:$0x3FC4] =	sst s1  }
0x7: {  	_ = 	snop  }
0x8: {  	(tm) =	ssettm $0x1  }
0x9: {  	s18 =	sld [smem:$0x3FFB];
	_ =	sdelay $0x3  }
0xa: {  	_ =	strace s18  }
0xb: {  	s1 =	sld [smem:$0x3FFC];
	_ =	sdelay $0x3  }
0xc: {  	_ =	strace s1  }
0xd: {  	s1 =	sld [smem:$0x3FFD];
	_ =	sdelay $0x3  }
0xe: {  	_ =	strace s1  }
0xf: {  	_ =	strace $0x8FFFFFFF  }
0x10: {  	s19 =	sld [smem:$0x3FDB];
	_ =	sdelay $0x1  }
0x11: {  	s20 =	simm.s32 $_scs_section_size  }
0x12: {  	s4 =	simm.s32 $_size__tile_overlayer_lowered;
	s5 =	simm.s32 $_tile_overlayer_lowered  }
0x13: {  	s23 =	simm.s32 $0x1BFF;
	s22 =	sshll.u32 s5, $0x1;
	s1 =	sadd.s32 s20, s19  }
0x14: {  	s6 =	simm.s32 $0x0;
	s21 =	sshll.u32 s4, $0x1;
	s4 =	sadd.s32 s22, s1  }
0x15: {  	[timem:s6], [sflag:s23] =	dma.local [hbm:s4], s21  }
0x16: {  	_ =	swait.ge [sflag:s23], s21  }
0x17: {  	s2 =	ssub.s32 $0x0, s21;
	[sflag:s23] =	ssyncset.done $0x0  }
0x18: {  	[sflag:s23] =	ssyncadd.s32 s2;
	_ =	sdelay $0x1  }
0x19: {  	s24 =	simm.s32 $0x1B8B  }
0x1a: {  	_ =	swait.ge [sflag:s24], $0x1  }
0x1b: {  	[sflag:s24] =	ssyncset.done $0x0  }
0x1c: {  	s26 =	simm.s32 $0x1B8E;
	s25 =	sld [smem:$0x3FFE];
	[sflag:s24] =	ssyncadd.s32 $0xFFFFFFFF  }
0x1d: {  	s27 =	simm.s32 $execute0_lowered;
	[smem:$0x3FD2] =	sst s26  }
0x1e: {  	s4 =	sshll.u32 s27, $0x1;
	_ =	strace $0x8000004C;
	[dreg:$0x1] =	wrdreg $0xFFFFFFFF  }
0x1f: {  	s28 =	simm.s32 $_size_execute0_lowered;
	s1 =	sadd.s32 s1, s4;
	[dreg:$0x0] =	wrdreg $0x0  }
0x20: {  	s4 =	sshll.u32 s28, $0x1;
	[dreg:$0x2] =	wrdreg s1  }
0x21: {  	[dreg:$0x3] =	wrdreg s4  }
0x22: {  	[dreg:$0x4] =	wrdreg $0xC0  }
0x23: {  	_ =	task [dreg:s6], $0x5FFFF  }
0x24: {  	[dreg:$0x1] =	wrdreg $0xFFFFFFFF  }
0x25: {  	[dreg:$0x0] =	wrdreg $0x60  }
0x26: {  	[dreg:$0x2] =	wrdreg s25  }
0x27: {  	[dreg:$0x3] =	wrdreg $0x9  }
0x28: {  	_ =	task.clear_ibuf [dreg:s6], $0x4FFFF;
	_ =	strace $0x9000004C  }
0x29: {  	s29 =	simm.s32 $0x9;
	_ =	strace $0x8000004E  }
0x2a: {  	_ =	swait.ge [sflag:s29], $0x1  }
0x2b: {  	[sflag:s29] =	ssyncadd.s32 $0xFFFFFFFF  }
0x2c: {  	_ =	strace $0x9000004E  }
0x2d: {  	_ =	sfence  }
0x2e: {  	s30 =	sld [smem:$0x0];
	_ =	sdelay $0x2  }
0x2f: {  	s31 =	sshll.u32 s3, $0xD;
	s3 =	sshrl.u32 s3, $0x2  }
0x30: {  	s2 =	sand.u32 $0x4000, s31;
	s1 =	sadd.s32 s3, s30  }
0x31: {  	s0 =	sor.u32 s2, s0;
	s1 =	sshll.u32 s1, $0x11  }
0x32: {  	s0 =	sor.u32 s1, s0  }
0x33: {  	s0 =	sadd.s32 $0x8F2B, s0  }
0x34: {  	[sflag:s0] =	ssyncadd.remote.s32 $0x1  }
0x35: {  	_ =	sfence.sel $0xFFFF  }
0x36: {  	[dreg:$0x0] =	wrdreg $0xFFFFFFFF;
	(pc) =	sbr.abs _section_cstart, $3  }
0x37: {  	[dreg:$0x1] =	wrdreg $0xFFFFFFFF  }
0x38: {  	_ =	task.clear_ibuf [dreg:s6], $0x2FFFF;
	_ =	strace $0x9FFFFFFF  }
0x39: {  	(tm) =	ssettm $0x7FFFFFFF  }
tec
execute0_lowered:
.L_overlay_start_1:
0x0: {  	(tag) =	ssettag $0x1  }
0x1: {  	s0 =	srdreg.scid;
	s7 =	rddreg [dreg:$0x0]  }
0x2: {  	s5 =	simm.s32 $0x1;
	s8 =	simm.s32 $0x2;
	s1 =	sshll.u32 s0, $0x4  }
0x3: {  	s19 =	simm.s32 $0x0;
	s0 =	stileid.u32;
	s1 =	sand.u32 $0x10, s1  }
0x4: {  	s9 =	simm.s32 $0x10000;
	s17 =	simm.s32 $0x0;
	s1 =	sor.u32 s0, s1  }
0x5: {  	s18 =	simm.s32 $0x0;
	s10 =	simm.s32 $0x0;
	s2 =	sshll.u32 s1, $0x1  }
0x6: {  	s11 =	simm.s32 $0x0;
	s12 =	simm.s32 $0x0;
	s3 =	ssub.s32 $0x40, s2  }
0x7: {  	s13 =	simm.s32 $0x0;
	s14 =	simm.s32 $0x0;
	s4 =	sand.u32 $0x3E, s3  }
0x8: {  	s16 =	simm.s32 $0x0;
	s1 =	rddreg [dreg:$0x1];
	p0 =	sne.s32 s4, $0x0  }
.Ltmp0:
0x9: {  	s6 =	sshrl.u32 s3, $0x6;
	s5 =	simm.s32 @!p0 $0x0;
	(pc) =	sbr.rel .LBB1_1-.Ltmp0, $4  }
0xa: {  	_ =	strace $0x8000004D;
	s15 =	smov.u32 s2;
	s5 =	sadd.s32 s5, s6  }
0xb: {  	s3 =	sadd.s32 $0xA00, s7;
	s4 =	simm.s32 $0x1;
	s5 =	smul.u32 $0x108, s5  }
0xc: {  	[sflag:s4] =	ssyncpa.u1 $0x0;
	p0 =	por $0x0, $0x0;
	s6 =	sadd.s32 $0x2800A00, s7  }
0xd: {  	[sflag:s8] =	ssyncpa.u1 $0x0;
	s7 =	sadd.s32 $0xA0A00, s7;
	s8 =	sor.u32 $0x1, s5  }
.LBB1_7:
0xe: {  	p1 =	slt.u32 s16, $0x2  }
0xf: {  	s20 =	smov.u32 s19;
	p2 =	sgt.s32 @!p1 s19, $0x20;
	s21 =	sshra.s32 @!p1 s19, $0x1F  }
0x10: {  	s22 =	sshra.s32 @!p1 s17, $0x1F;
	p2 =	por !p2, p1;
	s19 =	sand.u32 @!p1 s21, s19  }
0x11: {  	s21 =	sshra.s32 @!p1 s18, $0x1F;
	s20 =	simm.s32 @p2 $0x20;
	p2 =	sgt.s32 @!p1 s18, $0x3E  }
0x12: {  	s19 =	ssub.s32 @!p1 s20, s19;
	p2 =	por !p2, p1;
	s20 =	smov.u32 s18  }
0x13: {  	s18 =	sand.u32 @!p1 s21, s18;
	s20 =	simm.s32 @p2 $0x3E;
	p2 =	sgt.s32 @!p1 s17, $0x380  }
0x14: {  	s21 =	smov.u32 s17;
	s17 =	sand.u32 @!p1 s22, s17;
	p2 =	por !p2, p1  }
0x15: {  	s18 =	ssub.s32 @!p1 s20, s18;
	s20 =	sadd.s32 @!p1 $0xFFFFFFE0, s19;
	s21 =	simm.s32 @p2 $0x380  }
0x16: {  	s19 =	ssub.s32 @!p1 $0x21, s19;
	s17 =	ssub.s32 @!p1 s21, s17;
	s21 =	sadd.s32 @!p1 $0xFFFFFFC2, s18  }
0x17: {  	s19 =	smul.u32 @!p1 $0x21, s19;
	p2 =	sgt.s32 @!p1 s21, $0x1;
	s21 =	sadd.s32 @!p1 $0xFFFFFC80, s17  }
0x18: {  	s18 =	ssub.s32 @!p1 $0x40, s18;
	p2 =	por !p2, p1;
	p3 =	sgt.s32 @!p1 s21, $0x7F  }
0x19: {  	s17 =	ssub.s32 @!p1 $0x400, s17;
	s18 =	simm.s32 @!p2 $0x0;
	p2 =	por !p3, p1  }
0x1a: {  	s21 =	smov.u32 s14;
	p3 =	sgt.s32 @!p1 s20, $0x0;
	s17 =	simm.s32 @!p2 $0x0  }
0x1b: {  	s20 =	sadd.s32 $0x1, s13;
	p2 =	por !p3, p1;
	s17 =	smul.u32 @!p1 s18, s17  }
0x1c: {  	s19 =	simm.s32 @!p2 $0x0;
	p2 =	sgt.s32 s20, $0x20;
	s18 =	sadd.s32 $0x80, s14  }
0x1d: {  	p0 =	por !p0, !p0;
	s21 =	smov.u32 @p2 s18  }
0x1e: {  	s22 =	smov.u32 s15;
	s18 =	sadd.s32 $0x40, s15;
	p3 =	sgt.s32 s21, $0x3FF  }
0x1f: {  	s23 =	simm.s32 @!p1 $0x2;
	s20 =	simm.s32 @p2 $0x0;
	s22 =	smov.u32 @p3 s18  }
0x20: {  	s17 =	smul.u32 @!p1 s19, s17;
	s19 =	smov.u32 s10;
	p2 =	sgt.s32 s22, $0x3F  }
0x21: {  	s10 =	smov.u32 s13;
	s22 =	smov.u32 @p2 s2;
	p2 =	sne.s32 s16, s8  }
.Ltmp1:
0x22: {  	s13 =	smov.u32 s20;
	s21 =	simm.s32 @p3 $0x0;
	(pc) =	sbr.rel @!p2 .LBB1_8-.Ltmp1, $4  }
0x23: {  	s18 =	smov.u32 s12;
	s12 =	smov.u32 s15;
	s17 =	sand.u32 @!p1 $0x3FFFFFFF, s17  }
0x24: {  	_ =	swait.ge @!p1 [sflag:s23], s17;
	s24 =	ssub.s32 @!p1 $0x0, s17;
	s17 =	smov.u32 s11  }
0x25: {  	s16 =	sadd.s32 $0x1, s16;
	s11 =	smov.u32 s14;
	[sflag:s23] =	ssyncset.done @!p1 $0x0  }
0x26: {  	s14 =	smov.u32 s21;
	s15 =	smov.u32 s22;
	[sflag:s23] =	ssyncadd.s32 @!p1 s24  }
.LBB1_1:
0x27: {  	p1 =	sge.u32 s16, s5  }
0x28: {  	s20 =	sand.u32 @!p1 $0x1FFFFFF, s13  }
0x29: {  	s21 =	smulhi.u32 @!p1 $0x6666667, s20  }
0x2a: {  	s22 =	smul.u32 @!p1 $0xA0000, s15  }
0x2b: {  	s21 =	smul.u32 @!p1 $0x28, s21  }
0x2c: {  	s23 =	sxor.u32 @!p1 $0xFFFFFFFF, s16;
	s24 =	smul.u32 @!p1 $0x280, s14  }
0x2d: {  	s25 =	simm.s32 @!p1 $0x40;
	s20 =	ssub.s32 @!p1 s20, s21;
	s21 =	sadd.s32 @!p1 s3, s22  }
0x2e: {  	s23 =	sshll.u32 @!p1 s23, $0xE;
	s20 =	sshll.u32 @!p1 s20, $0x4;
	s21 =	sadd.s32 @!p1 s24, s21  }
0x2f: {  	s26 =	simm.s32 @!p1 $0x1400;
	s23 =	sand.u32 @!p1 $0x4000, s23;
	s21 =	sadd.s32 @!p1 s20, s21  }
0x30: {  	[tilespmem:s23], [sflag:$0x1] =	stream.strided.gather @!p1 [hbm4b:s21+s25], $0x2000, s26, s25, $0x38;
	[tilespmem:$0x10100] =	vst v63  }
0x31: {  	s21 =	sadd.s32 @!p1 s22, s7  }
0x32: {  	s21 =	sadd.s32 @!p1 s24, s21  }
0x33: {  	s31 =	sadd.s32 $0xFFFFFFFF, s16;
	s20 =	sadd.s32 @!p1 s20, s21;
	s21 =	sor.u32 @!p1 $0x2000, s23  }
0x34: {  	[tilespmem:s21], [sflag:$0x1] =	stream.strided.gather @!p1 [hbm4b:s20+s25], $0x2000, s26, s25, $0x38;
	[tilespmem:$0x10100] =	vst v63  }
0x35: {  	p1 =	sge.u32 s31, s5  }
.Ltmp2:
0x36: {  	_ = 	snop;
	(pc) =	sbr.rel @p1 .LBB1_7-.Ltmp2, $1  }
0x37: {  	_ =	sdelay $0x3  }
0x38: {  	s20 =	simm.s32 $0x1;
	s22 =	sand.u32 $0x1, s16  }
0x39: {  	_ =	swait.ge [sflag:s4], $0x4000;
	s20 =	simm.s32 @!p0 $0x0;
	s22 =	smul.u32 $0x10200, s22  }
0x3a: {  	p2 =	por $0x1, $0x1;
	[sflag:s4] =	ssyncset.done $0x0;
	s21 =	smul.u32 $0x10200, s20  }
0x3b: {  	s23 =	sshll.u32 s20, $0x10;
	[sflag:s4] =	ssyncadd.s32 $0xFFFFC000;
	s30 =	sshrl.u32 s22, $0x2  }
0x3c: {  	s31 =	sshrl.u32 s23, $0x2;
	s23 =	simm.s32 $0x0;
	s21 =	sshrl.u32 s21, $0x2  }
0x3d: {  	s20 =	sor.u32 $0x8000, s30;
	s22 =	sadd.s32 $0x20, s31;
	s21 =	sor.u32 $0x8000, s21  }
.LBB1_3:
0x3e: {  	s24 =	sshll.u32 s23, $0xD  }
0x3f: {  	s24 =	sand.u32 $0x3FFFE000, s24  }
0x40: {  	s26 =	sadd.s32 s24, s22  }
0x41: {  	s31 =	smul.u32 $0x204, s23;
	v3 =	vld [tilespmem:s26+$0x10]  }
0x42: {  	v1 =	vld [tilespmem:s26+$0xFFFFFFF0]  }
0x43: {  	s23 =	sshra.s32 s31, $0x2;
	v0 =	vld [tilespmem:s26+$0x0]  }
0x44: {  	s23 =	sadd.s32 s23, s21;
	v2 =	vld [tilespmem:s26+$0xFFFFFFE0]  }
0x45: {  	s24 =	sadd.s32 $0x0, s23  }
0x46: {  	p1 =	por p2, p2;
	s25 =	simm.s32 $0x4;
	s26 =	sadd.s32 $0x40, s26;
	[tilespmem:s24+$0x3060 ss:$0x102] =	vst.msk $0xffff, v3  }
.LBB1_4:
0x47: {  	v3 =	vld [tilespmem:s26+$0x10];
	p2 =	sne.s32 s25, $0x1FC;
	[tilespmem:s24+$0x1020 ss:$0x102] =	vst.msk $0xffff, v1;
	s27 =	smov.u32 s25;
	s25 =	sadd.s32 $0x4, s25  }
.Ltmp3:
0x48: {  	v1 =	vld [tilespmem:s26+$0xFFFFFFF0];
	[tilespmem:s24+$0x2040 ss:$0x102] =	vst.msk $0xffff, v0;
	(pc) =	sbr.rel @p2 .LBB1_4-.Ltmp3, $4  }
0x49: {  	v0 =	vld [tilespmem:s26+$0x0];
	[tilespmem:s24+$0x0 ss:$0x102] =	vst.msk $0xffff, v2  }
0x4a: {  	s24 =	sshra.s32 s27, $0x2;
	v2 =	vld [tilespmem:s26+$0xFFFFFFE0]  }
0x4b: {  	s24 =	sadd.s32 s24, s23  }
0x4c: {  	s26 =	sadd.s32 $0x40, s26;
	[tilespmem:s24+$0x3060 ss:$0x102] =	vst.msk $0xffff, v3  }
.Ltmp4:
0x4d: {  	(pc) =	sbr.rel @p1 .LBB1_3-.Ltmp4, $4  }
0x4e: {  	_ = 	snop  }
0x4f: {  	[tilespmem:s24+$0x1020 ss:$0x102] =	vst.msk $0xffff, v1  }
0x50: {  	[tilespmem:s24+$0x2040 ss:$0x102] =	vst.msk $0xffff, v0  }
0x51: {  	s23 =	simm.s32 $0x1;
	p2 =	por $0x0, $0x0;
	[tilespmem:s24+$0x0 ss:$0x102] =	vst.msk $0xffff, v2  }
0x52: {  	p1 =	sgt.s32 s10, $0x20;
	s21 =	smov.u32 s10  }
0x53: {  	s22 =	smov.u32 s12;
	s23 =	sshra.s32 s12, $0x1F;
	s24 =	sand.u32 $0x78, s11  }
0x54: {  	s25 =	sshra.s32 s11, $0x1F;
	s27 =	sshra.s32 s10, $0x1F;
	s28 =	sshll.u32 s12, $0x7  }
0x55: {  	s21 =	simm.s32 @!p1 $0x20;
	p1 =	sgt.s32 s12, $0x3E;
	s23 =	sand.u32 s23, s12  }
0x56: {  	s25 =	sand.u32 s25, s11;
	s31 =	sand.u32 $0x380, s28;
	s22 =	simm.s32 @!p1 $0x3E  }
0x57: {  	p1 =	sgt.s32 s11, $0x380;
	s22 =	ssub.s32 s22, s23;
	s23 =	smov.u32 s11  }
0x58: {  	s26 =	sadd.s32 $0xFFFFFFC2, s22;
	s23 =	simm.s32 @!p1 $0x380;
	s22 =	ssub.s32 $0x40, s22  }
0x59: {  	p1 =	sgt.s32 s26, $0x1;
	s23 =	ssub.s32 s23, s25;
	s26 =	sand.u32 s27, s10  }
0x5a: {  	s25 =	sand.u32 $0x1C00, s28;
	s27 =	smul.u32 $0x42000, s10;
	s21 =	ssub.s32 s21, s26  }
0x5b: {  	s22 =	simm.s32 @p1 $0x0;
	s29 =	sadd.s32 $0xFFFFFC80, s23;
	s23 =	ssub.s32 $0x400, s23  }
0x5c: {  	p1 =	sgt.s32 s29, $0x7F;
	s30 =	ssub.s32 $0x21, s21;
	s21 =	sadd.s32 $0xFFFFFFE0, s21  }
0x5d: {  	s28 =	sadd.s32 s6, s27;
	s26 =	smul.u32 $0x21, s30;
	s23 =	simm.s32 @p1 $0x0  }
0x5e: {  	s29 =	sand.u32 $0x7, s11;
	p1 =	sgt.s32 s21, $0x0;
	s22 =	smul.u32 s22, s23  }
.Ltmp5:
0x5f: {  	s21 =	sor.u32 s24, s31;
	s26 =	simm.s32 @p1 $0x0;
	(pc) =	sbr.rel .LBB1_7-.Ltmp5, $4  }
0x60: {  	s23 =	sadd.s32 s11, s25;
	s21 =	sshrl.u32 s21, $0x3;
	s22 =	smul.u32 s26, s22  }
0x61: {  	s30 =	sshll.u32 s29, $0x12;
	s23 =	sand.u32 $0x1F80, s23;
	s21 =	sadd.s32 s21, s28  }
0x62: {  	s31 =	sor.u32 $0x100, s30;
	s21 =	sadd.s32 s23, s21;
	s22 =	sand.u32 $0x3FFFFFFF, s22  }
0x63: {  	[hbm4b:s21+s31] =	stream.strided.scatter [tilespmem:s20], [sflag:$0x2], s22, s9, s31, $0x20;
	[tilespmem:$0x10100] =	vst v63  }
.LBB1_8:
0x64: {  	_ =	sfence.sel $0x180000  }
0x65: {  	s2 =	simm.s32 $0x1;
	[bflag:$0x0] =	sbarrier.arrive $0xFFFF  }
0x66: {  	s31 =	simm.s32 $0x2;
	[sflag:s2] =	ssyncpa.u1 $0x1  }
0x67: {  	[sflag:s31] =	ssyncpa.u1 $0x1  }
0x68: {  	p0 =	sne.s32 s0, $0x0;
	_ =	strace $0x9000004D  }
0x69: {  	s0 =	sadd.s32 @!p0 $0x100000, s1;
	[bflag:$0x2] =	sbarrier.arrive $0xFFFF  }
0x6a: {  	[sflag:s0] =	ssyncadd.tile.s32 @!p0 $0x1;
	_ =	shalt  }
.Lfunc_end1:
_tile_overlayer_lowered:
.L_overlay_start_2:
0x6b: {  	(tag) =	ssettag $0x2  }
0x6c: {  	s0 =	rddreg [dreg:$0x0];
	s2 =	stileid.u32  }
0x6d: {  	s1 =	rddreg [dreg:$0x1];
	p0 =	sne.s32 s2, $0x0  }
0x6e: {  	s3 =	rddreg [dreg:$0x2];
	[bflag:$0x3] =	sbarrier.arrive $0xFFFF;
	s2 =	simm.s32 @!p0 $0x1C01  }
0x6f: {  	[timem:s3], [sflag:s2] =	dma.local @!p0 [hbm:s0], s1  }
0x70: {  	s0 =	simm.s32 @!p0 $0x1  }
0x71: {  	_ =	swait.ge @!p0 [sflag:s0], s1  }
0x72: {  	s1 =	ssub.s32 @!p0 $0x0, s1;
	[sflag:s0] =	ssyncset.done @!p0 $0x0  }
0x73: {  	[sflag:s0] =	ssyncadd.s32 @!p0 s1  }
0x74: {  	[bflag:$0x3] =	sbarrier.arrive $0xFFFF  }
0x75: {  	_ =	shalt  }

</sc_bundles>
